<compile_context>
chip_gen: v7x
topology: tpu7x:2x2x1
jax: 0.10.2.dev20260603
libtpu: 0.0.44.dev20260713+nightly
codegen_flags: <defaults>
</compile_context>

<pallas_src>
import functools

import jax
import jax.numpy as jnp
from jax.experimental import pallas as pl
from jax.experimental.pallas import tpu as pltpu
from jax.experimental.pallas import tpu_sc as plsc

_N_TOKENS = 16384
_INPUT_DIM = 256
_HIDDEN = 64
_K = 1024
_S = 3
_TN = 512


def _argmin_like_ref(r, cbt, iota):
    f32 = jnp.float32
    cn = jnp.sum(cbt * cbt, axis=0, keepdims=True)
    rn = jnp.sum(r * r, axis=1, keepdims=True)
    ab = jnp.dot(r, cbt, preferred_element_type=f32)
    d = jnp.sqrt(jnp.maximum((rn + cn) - 2.0 * ab, 0.0))
    m = jnp.min(d, axis=1, keepdims=True)
    return jnp.min(jnp.where(d == m, iota, _K), axis=1, keepdims=True)


def _b0_body(x_ref, w1_ref, b1_ref, w2_ref, b2_ref, cbt_ref, h_ref, idx_ref):
    f32 = jnp.float32
    x = x_ref[...]
    h1 = jnp.maximum(jnp.dot(x, w1_ref[...], preferred_element_type=f32)
                     + b1_ref[...], 0.0)
    h = jnp.dot(h1, w2_ref[...], preferred_element_type=f32) + b2_ref[...]
    h_ref[...] = h
    iota = jax.lax.broadcasted_iota(jnp.int32, (_TN, _K), 1)
    idx_ref[...] = _argmin_like_ref(h, cbt_ref[...], iota)


def _bs_body(r_prev_ref, sel_ref, cbt_ref, r_ref, idx_ref):
    r = r_prev_ref[...] - sel_ref[:, :_HIDDEN]
    r_ref[...] = r
    iota = jax.lax.broadcasted_iota(jnp.int32, (_TN, _K), 1)
    idx_ref[...] = _argmin_like_ref(r, cbt_ref[...], iota)


def _d_body(s0_ref, s1_ref, s2_ref, w3_ref, b3_ref, w4_ref, b4_ref,
            q_ref, rec_ref):
    f32 = jnp.float32
    q = (s0_ref[:, :_HIDDEN] + s1_ref[:, :_HIDDEN]) + s2_ref[:, :_HIDDEN]
    q_ref[...] = q
    d1 = jnp.maximum(jnp.dot(q, w3_ref[...], preferred_element_type=f32)
                     + b3_ref[...], 0.0)
    rec_ref[...] = jnp.dot(d1, w4_ref[...], preferred_element_type=f32) \
        + b4_ref[...]


def _full(shape):
    return pl.BlockSpec(shape, lambda i: (0,) * len(shape))


def _tok(cols):
    return pl.BlockSpec((_TN, cols), lambda i: (i, 0))


_GRID = (_N_TOKENS // _TN,)


def _sc_gather(table, idx):
    info = plsc.get_sparse_core_info()
    nw = info.num_cores * info.num_subcores
    bsz, dim = idx.shape[0], table.shape[1]
    bpw = bsz // nw
    mesh = plsc.VectorSubcoreMesh(core_axis_name="c", subcore_axis_name="s")

    @functools.partial(
        pl.kernel, mesh=mesh,
        out_type=jax.ShapeDtypeStruct((bsz, dim), jnp.float32),
        scratch_types=[
            pltpu.VMEM((bpw,), jnp.int32),
            pltpu.VMEM((bpw, dim), jnp.float32),
            pltpu.SemaphoreType.DMA,
        ],
    )
    def k(table_hbm, idx_hbm, out_hbm, idx_v, rows_v, sem):
        wid = jax.lax.axis_index("s") * info.num_cores + jax.lax.axis_index("c")
        base = wid * bpw
        pltpu.sync_copy(idx_hbm.at[pl.ds(base, bpw)], idx_v)
        pltpu.async_copy(table_hbm.at[idx_v], rows_v, sem).wait()
        pltpu.sync_copy(rows_v, out_hbm.at[pl.ds(base, bpw)])

    return k(table, idx)


def kernel(x, W1, b1, W2, b2, W3, b3, W4, b4, codebooks):
    f32 = jnp.float32
    cbt = jnp.swapaxes(codebooks, 1, 2)
    cbp = jnp.pad(codebooks, ((0, 0), (0, 0), (0, 128 - _HIDDEN)))

    h, idx0 = pl.pallas_call(
        _b0_body,
        grid=_GRID,
        in_specs=[_tok(_INPUT_DIM), _full((_INPUT_DIM, 2 * _HIDDEN)),
                  _full((1, 2 * _HIDDEN)), _full((2 * _HIDDEN, _HIDDEN)),
                  _full((1, _HIDDEN)), _full((_HIDDEN, _K))],
        out_specs=[_tok(_HIDDEN), _tok(1)],
        out_shape=[jax.ShapeDtypeStruct((_N_TOKENS, _HIDDEN), f32),
                   jax.ShapeDtypeStruct((_N_TOKENS, 1), jnp.int32)],
    )(x, W1, b1.reshape(1, -1), W2, b2.reshape(1, -1), cbt[0])

    sel0 = _sc_gather(cbp[0], idx0.reshape(-1))

    r1, idx1 = pl.pallas_call(
        _bs_body,
        grid=_GRID,
        in_specs=[_tok(_HIDDEN), _tok(128), _full((_HIDDEN, _K))],
        out_specs=[_tok(_HIDDEN), _tok(1)],
        out_shape=[jax.ShapeDtypeStruct((_N_TOKENS, _HIDDEN), f32),
                   jax.ShapeDtypeStruct((_N_TOKENS, 1), jnp.int32)],
    )(h, sel0, cbt[1])

    sel1 = _sc_gather(cbp[1], idx1.reshape(-1))

    _, idx2 = pl.pallas_call(
        _bs_body,
        grid=_GRID,
        in_specs=[_tok(_HIDDEN), _tok(128), _full((_HIDDEN, _K))],
        out_specs=[_tok(_HIDDEN), _tok(1)],
        out_shape=[jax.ShapeDtypeStruct((_N_TOKENS, _HIDDEN), f32),
                   jax.ShapeDtypeStruct((_N_TOKENS, 1), jnp.int32)],
    )(r1, sel1, cbt[2])

    sel2 = _sc_gather(cbp[2], idx2.reshape(-1))

    q, rec = pl.pallas_call(
        _d_body,
        grid=_GRID,
        in_specs=[_tok(128), _tok(128), _tok(128),
                  _full((_HIDDEN, 2 * _HIDDEN)), _full((1, 2 * _HIDDEN)),
                  _full((2 * _HIDDEN, _INPUT_DIM)), _full((1, _INPUT_DIM))],
        out_specs=[_tok(_HIDDEN), _tok(_INPUT_DIM)],
        out_shape=[jax.ShapeDtypeStruct((_N_TOKENS, _HIDDEN), f32),
                   jax.ShapeDtypeStruct((_N_TOKENS, _INPUT_DIM), f32)],
    )(sel0, sel1, sel2, W3, b3.reshape(1, -1), W4, b4.reshape(1, -1))

    idx = jnp.concatenate([idx0, idx1, idx2], axis=1)
    return (q, idx.T, rec)

# --- scband reference (transcript-rebuilt; emitter-appended) ---
"""Pipeline reference for scband-residual-vector-quantizer-55868934586428 (READ-ONLY COPY).

The authoritative reference and input builder live on the scoring server;
editing this copy changes nothing except your own understanding.
"""

import jax, jax.numpy as jnp
import numpy as np

INPUT_DIM = 256
HIDDEN_DIM = 64
CODEBOOK_SIZE = 1024
NUM_CODEBOOKS = 3
N_TOKENS = 16384


def setup_inputs(seed: int = 0) -> dict:
    key = jax.random.key(seed)
    ks = jax.random.split(key, 8)

    def lin_w(k, fan_in, fan_out):
        bound = 1.0 / np.sqrt(fan_in)
        return jax.random.uniform(k, (fan_in, fan_out), jnp.float32, -bound, bound)

    return {
        "x": jax.random.normal(ks[0], (N_TOKENS, INPUT_DIM), jnp.float32),
        # encoder: Linear(input_dim, hidden*2) -> ReLU -> Linear(hidden*2, hidden)
        "W1": lin_w(ks[1], INPUT_DIM, HIDDEN_DIM * 2),
        "b1": jnp.zeros((HIDDEN_DIM * 2,), jnp.float32),
        "W2": lin_w(ks[2], HIDDEN_DIM * 2, HIDDEN_DIM),
        "b2": jnp.zeros((HIDDEN_DIM,), jnp.float32),
        # decoder: Linear(hidden, hidden*2) -> ReLU -> Linear(hidden*2, input_dim)
        "W3": lin_w(ks[3], HIDDEN_DIM, HIDDEN_DIM * 2),
        "b3": jnp.zeros((HIDDEN_DIM * 2,), jnp.float32),
        "W4": lin_w(ks[4], HIDDEN_DIM * 2, INPUT_DIM),
        "b4": jnp.zeros((INPUT_DIM,), jnp.float32),
        # codebooks: ParameterList of [codebook_size, hidden_dim]
        "codebooks": jax.random.normal(ks[5], (NUM_CODEBOOKS, CODEBOOK_SIZE, HIDDEN_DIM), jnp.float32),
    }


def _cdist(a, b):
    # torch.cdist(a, b) with p=2: euclidean distance matrix [N, K]
    d2 = (
        jnp.sum(a * a, axis=1, keepdims=True)
        + jnp.sum(b * b, axis=1)[None, :]
        - 2.0 * (a @ b.T)
    )
    return jnp.sqrt(jnp.clip(d2, 0.0, None))


def reference(x, W1, b1, W2, b2, W3, b3, W4, b4, codebooks):
    # encoder
    h = jnp.maximum(x @ W1 + b1, 0.0) @ W2 + b2
    residual = h
    indices = []
    codebook_vectors = []
    for i in range(NUM_CODEBOOKS):
        cb = codebooks[i]
        distances = _cdist(residual, cb)
        min_indices = jnp.argmin(distances, axis=1)
        indices.append(min_indices)
        selected = jnp.take(cb, min_indices, axis=0)
        codebook_vectors.append(selected)
        residual = residual - selected
    quantized = codebook_vectors[0]
    for v in codebook_vectors[1:]:
        quantized = quantized + v
    # decoder
    reconstructed = jnp.maximum(quantized @ W3 + b3, 0.0) @ W4 + b4
    # eval mode: loss is None -> omitted from returns
    return (quantized, jnp.stack(indices, axis=0), reconstructed)

if __name__ == "__main__":
    import jax
    _d = setup_inputs()
    print(jax.jit(kernel)(*tuple(_d.values())))

</pallas_src>

<mosaic_0001>
#map = affine_map<(d0, d1) -> (0, 0)>
#map1 = affine_map<(d0, d1) -> (0)>
module attributes {stable_mosaic.version = 14 : i64} {
  func.func @k(%arg0: i32, %arg1: i32, %arg2: memref<1024x128xf32, #tpu.memory_space<hbm>>, %arg3: memref<16384xi32, #tpu.memory_space<hbm>>, %arg4: memref<16384x128xf32, #tpu.memory_space<hbm>>, %arg5: memref<512xi32, #tpu.memory_space<vmem>>, %arg6: memref<512x128xf32, #tpu.memory_space<vmem>>, %arg7: memref<!tpu.dma_semaphore, #tpu.memory_space<semaphore_mem>>) attributes {dimension_semantics = [#tpu.dimension_semantics<core_parallel>, #tpu.dimension_semantics<subcore_parallel>], iteration_bounds = array<i64: 2, 16>, scalar_prefetch = 0 : i64, scratch_operands = 3 : i64, tpu.core_type = #tpu.core_type<sc_vector_subcore>, window_params = [{transform_indices = #map}, {transform_indices = #map1}, {transform_indices = #map}]} {
    %mul3A = arith.constant 2 : i32
    %mul3A_0 = arith.muli %arg1, %mul3A : i32
    %add3A = arith.addi %mul3A_0, %arg0 : i32
    %mul3A_1 = arith.constant 512 : i32
    %mul3A_2 = arith.muli %add3A, %mul3A_1 : i32
    "tpu.region"() ({
      %run_scoped3A = tpu.sem_alloc : memref<!tpu.dma_semaphore, #tpu.memory_space<semaphore_mem>>
      %dma_start3A_7 = tpu.memref_slice %arg3[%mul3A_2] : memref<16384xi32, #tpu.memory_space<hbm>> -> memref<512xi32, #tpu.memory_space<hbm>>
      %dma_start3A_8 = tpu.memref_slice %arg3[%mul3A_2] : memref<16384xi32, #tpu.memory_space<hbm>> -> memref<512xi32, #tpu.memory_space<hbm>>
      tpu.enqueue_dma source(%dma_start3A_8 : memref<512xi32, #tpu.memory_space<hbm>>) target(%arg5 : memref<512xi32, #tpu.memory_space<vmem>>) target_semaphore(%run_scoped3A : memref<!tpu.dma_semaphore, #tpu.memory_space<semaphore_mem>>)
      %dma_wait3A_9 = tpu.memref_slice %arg3[%mul3A_2] : memref<16384xi32, #tpu.memory_space<hbm>> -> memref<512xi32, #tpu.memory_space<hbm>>
      %dma_wait3A_10 = tpu.memref_slice %arg3[%mul3A_2] : memref<16384xi32, #tpu.memory_space<hbm>> -> memref<512xi32, #tpu.memory_space<hbm>>
      tpu.wait_dma2 semaphore(%run_scoped3A : memref<!tpu.dma_semaphore, #tpu.memory_space<semaphore_mem>>) src(%dma_wait3A_10 : memref<512xi32, #tpu.memory_space<hbm>>) dst(%arg5 : memref<512xi32, #tpu.memory_space<vmem>>)
      tpu.yield
    }) : () -> ()
    %dma_start3A = arith.constant 0 : i32
    %dma_start3A_3 = arith.constant 0 : i32
    %dma_start3A_4 = tpu.memref_slice %arg2[%dma_start3A, %dma_start3A_3] : memref<1024x128xf32, #tpu.memory_space<hbm>> -> memref<1024x128xf32, #tpu.memory_space<hbm>>
    tpu.enqueue_indirect_dma source(%dma_start3A_4 : memref<1024x128xf32, #tpu.memory_space<hbm>>) target(%arg6 : memref<512x128xf32, #tpu.memory_space<vmem>>) offsets(%arg5 : memref<512xi32, #tpu.memory_space<vmem>>) semaphore(%arg7 : memref<!tpu.dma_semaphore, #tpu.memory_space<semaphore_mem>>)
    %dma_wait3A = arith.constant 0 : i32
    %dma_wait3A_5 = arith.constant 0 : i32
    %dma_wait3A_6 = tpu.memref_slice %arg2[%dma_wait3A, %dma_wait3A_5] : memref<1024x128xf32, #tpu.memory_space<hbm>> -> memref<1024x128xf32, #tpu.memory_space<hbm>>
    tpu.wait_indirect_dma semaphore(%arg7 : memref<!tpu.dma_semaphore, #tpu.memory_space<semaphore_mem>>) src(%dma_wait3A_6 : memref<1024x128xf32, #tpu.memory_space<hbm>>) dst(%arg6 : memref<512x128xf32, #tpu.memory_space<vmem>>)
    "tpu.region"() ({
      %run_scoped3A = tpu.sem_alloc : memref<!tpu.dma_semaphore, #tpu.memory_space<semaphore_mem>>
      %dma_start3A_7 = arith.constant 0 : i32
      %dma_start3A_8 = tpu.memref_slice %arg4[%mul3A_2, %dma_start3A_7] : memref<16384x128xf32, #tpu.memory_space<hbm>> -> memref<512x128xf32, #tpu.memory_space<hbm>>
      %dma_start3A_9 = arith.constant 0 : i32
      %dma_start3A_10 = tpu.memref_slice %arg4[%mul3A_2, %dma_start3A_9] : memref<16384x128xf32, #tpu.memory_space<hbm>> -> memref<512x128xf32, #tpu.memory_space<hbm>>
      tpu.enqueue_dma source(%arg6 : memref<512x128xf32, #tpu.memory_space<vmem>>) target(%dma_start3A_10 : memref<512x128xf32, #tpu.memory_space<hbm>>) target_semaphore(%run_scoped3A : memref<!tpu.dma_semaphore, #tpu.memory_space<semaphore_mem>>)
      %dma_wait3A_11 = arith.constant 0 : i32
      %dma_wait3A_12 = tpu.memref_slice %arg4[%mul3A_2, %dma_wait3A_11] : memref<16384x128xf32, #tpu.memory_space<hbm>> -> memref<512x128xf32, #tpu.memory_space<hbm>>
      %dma_wait3A_13 = arith.constant 0 : i32
      %dma_wait3A_14 = tpu.memref_slice %arg4[%mul3A_2, %dma_wait3A_13] : memref<16384x128xf32, #tpu.memory_space<hbm>> -> memref<512x128xf32, #tpu.memory_space<hbm>>
      tpu.wait_dma2 semaphore(%run_scoped3A : memref<!tpu.dma_semaphore, #tpu.memory_space<semaphore_mem>>) src(%arg6 : memref<512x128xf32, #tpu.memory_space<vmem>>) dst(%dma_wait3A_14 : memref<512x128xf32, #tpu.memory_space<hbm>>)
      tpu.yield
    }) : () -> ()
    return
  }
}

#map = affine_map<(d0, d1) -> (0, 0)>
#map1 = affine_map<(d0, d1) -> (0)>
module attributes {stable_mosaic.version = 14 : i64} {
  func.func @k(%arg0: i32, %arg1: i32, %arg2: memref<1024x128xf32, #tpu.memory_space<hbm>>, %arg3: memref<16384xi32, #tpu.memory_space<hbm>>, %arg4: memref<16384x128xf32, #tpu.memory_space<hbm>>, %arg5: memref<512xi32, #tpu.memory_space<vmem>>, %arg6: memref<512x128xf32, #tpu.memory_space<vmem>>, %arg7: memref<!tpu.dma_semaphore, #tpu.memory_space<semaphore_mem>>) attributes {dimension_semantics = [#tpu.dimension_semantics<core_parallel>, #tpu.dimension_semantics<subcore_parallel>], iteration_bounds = array<i64: 2, 16>, scalar_prefetch = 0 : i64, scratch_operands = 3 : i64, tpu.core_type = #tpu.core_type<sc_vector_subcore>, window_params = [{transform_indices = #map}, {transform_indices = #map1}, {transform_indices = #map}]} {
    %mul3A = arith.constant 2 : i32
    %mul3A_0 = arith.muli %arg1, %mul3A : i32
    %add3A = arith.addi %mul3A_0, %arg0 : i32
    %mul3A_1 = arith.constant 512 : i32
    %mul3A_2 = arith.muli %add3A, %mul3A_1 : i32
    "tpu.region"() ({
      %run_scoped3A = tpu.sem_alloc : memref<!tpu.dma_semaphore, #tpu.memory_space<semaphore_mem>>
      %dma_start3A_7 = tpu.memref_slice %arg3[%mul3A_2] : memref<16384xi32, #tpu.memory_space<hbm>> -> memref<512xi32, #tpu.memory_space<hbm>>
      %dma_start3A_8 = tpu.memref_slice %arg3[%mul3A_2] : memref<16384xi32, #tpu.memory_space<hbm>> -> memref<512xi32, #tpu.memory_space<hbm>>
      tpu.enqueue_dma source(%dma_start3A_8 : memref<512xi32, #tpu.memory_space<hbm>>) target(%arg5 : memref<512xi32, #tpu.memory_space<vmem>>) target_semaphore(%run_scoped3A : memref<!tpu.dma_semaphore, #tpu.memory_space<semaphore_mem>>)
      %dma_wait3A_9 = tpu.memref_slice %arg3[%mul3A_2] : memref<16384xi32, #tpu.memory_space<hbm>> -> memref<512xi32, #tpu.memory_space<hbm>>
      %dma_wait3A_10 = tpu.memref_slice %arg3[%mul3A_2] : memref<16384xi32, #tpu.memory_space<hbm>> -> memref<512xi32, #tpu.memory_space<hbm>>
      tpu.wait_dma2 semaphore(%run_scoped3A : memref<!tpu.dma_semaphore, #tpu.memory_space<semaphore_mem>>) src(%dma_wait3A_10 : memref<512xi32, #tpu.memory_space<hbm>>) dst(%arg5 : memref<512xi32, #tpu.memory_space<vmem>>)
      tpu.yield
    }) : () -> ()
    %dma_start3A = arith.constant 0 : i32
    %dma_start3A_3 = arith.constant 0 : i32
    %dma_start3A_4 = tpu.memref_slice %arg2[%dma_start3A, %dma_start3A_3] : memref<1024x128xf32, #tpu.memory_space<hbm>> -> memref<1024x128xf32, #tpu.memory_space<hbm>>
    tpu.enqueue_indirect_dma source(%dma_start3A_4 : memref<1024x128xf32, #tpu.memory_space<hbm>>) target(%arg6 : memref<512x128xf32, #tpu.memory_space<vmem>>) offsets(%arg5 : memref<512xi32, #tpu.memory_space<vmem>>) semaphore(%arg7 : memref<!tpu.dma_semaphore, #tpu.memory_space<semaphore_mem>>)
    %dma_wait3A = arith.constant 0 : i32
    %dma_wait3A_5 = arith.constant 0 : i32
    %dma_wait3A_6 = tpu.memref_slice %arg2[%dma_wait3A, %dma_wait3A_5] : memref<1024x128xf32, #tpu.memory_space<hbm>> -> memref<1024x128xf32, #tpu.memory_space<hbm>>
    tpu.wait_indirect_dma semaphore(%arg7 : memref<!tpu.dma_semaphore, #tpu.memory_space<semaphore_mem>>) src(%dma_wait3A_6 : memref<1024x128xf32, #tpu.memory_space<hbm>>) dst(%arg6 : memref<512x128xf32, #tpu.memory_space<vmem>>)
    "tpu.region"() ({
      %run_scoped3A = tpu.sem_alloc : memref<!tpu.dma_semaphore, #tpu.memory_space<semaphore_mem>>
      %dma_start3A_7 = arith.constant 0 : i32
      %dma_start3A_8 = tpu.memref_slice %arg4[%mul3A_2, %dma_start3A_7] : memref<16384x128xf32, #tpu.memory_space<hbm>> -> memref<512x128xf32, #tpu.memory_space<hbm>>
      %dma_start3A_9 = arith.constant 0 : i32
      %dma_start3A_10 = tpu.memref_slice %arg4[%mul3A_2, %dma_start3A_9] : memref<16384x128xf32, #tpu.memory_space<hbm>> -> memref<512x128xf32, #tpu.memory_space<hbm>>
      tpu.enqueue_dma source(%arg6 : memref<512x128xf32, #tpu.memory_space<vmem>>) target(%dma_start3A_10 : memref<512x128xf32, #tpu.memory_space<hbm>>) target_semaphore(%run_scoped3A : memref<!tpu.dma_semaphore, #tpu.memory_space<semaphore_mem>>)
      %dma_wait3A_11 = arith.constant 0 : i32
      %dma_wait3A_12 = tpu.memref_slice %arg4[%mul3A_2, %dma_wait3A_11] : memref<16384x128xf32, #tpu.memory_space<hbm>> -> memref<512x128xf32, #tpu.memory_space<hbm>>
      %dma_wait3A_13 = arith.constant 0 : i32
      %dma_wait3A_14 = tpu.memref_slice %arg4[%mul3A_2, %dma_wait3A_13] : memref<16384x128xf32, #tpu.memory_space<hbm>> -> memref<512x128xf32, #tpu.memory_space<hbm>>
      tpu.wait_dma2 semaphore(%run_scoped3A : memref<!tpu.dma_semaphore, #tpu.memory_space<semaphore_mem>>) src(%arg6 : memref<512x128xf32, #tpu.memory_space<vmem>>) dst(%dma_wait3A_14 : memref<512x128xf32, #tpu.memory_space<hbm>>)
      tpu.yield
    }) : () -> ()
    return
  }
}

#map = affine_map<(d0, d1) -> (0, 0)>
#map1 = affine_map<(d0, d1) -> (0)>
module attributes {stable_mosaic.version = 14 : i64} {
  func.func @k(%arg0: i32, %arg1: i32, %arg2: memref<1024x128xf32, #tpu.memory_space<hbm>>, %arg3: memref<16384xi32, #tpu.memory_space<hbm>>, %arg4: memref<16384x128xf32, #tpu.memory_space<hbm>>, %arg5: memref<512xi32, #tpu.memory_space<vmem>>, %arg6: memref<512x128xf32, #tpu.memory_space<vmem>>, %arg7: memref<!tpu.dma_semaphore, #tpu.memory_space<semaphore_mem>>) attributes {dimension_semantics = [#tpu.dimension_semantics<core_parallel>, #tpu.dimension_semantics<subcore_parallel>], iteration_bounds = array<i64: 2, 16>, scalar_prefetch = 0 : i64, scratch_operands = 3 : i64, tpu.core_type = #tpu.core_type<sc_vector_subcore>, window_params = [{transform_indices = #map}, {transform_indices = #map1}, {transform_indices = #map}]} {
    %mul3A = arith.constant 2 : i32
    %mul3A_0 = arith.muli %arg1, %mul3A : i32
    %add3A = arith.addi %mul3A_0, %arg0 : i32
    %mul3A_1 = arith.constant 512 : i32
    %mul3A_2 = arith.muli %add3A, %mul3A_1 : i32
    "tpu.region"() ({
      %run_scoped3A = tpu.sem_alloc : memref<!tpu.dma_semaphore, #tpu.memory_space<semaphore_mem>>
      %dma_start3A_7 = tpu.memref_slice %arg3[%mul3A_2] : memref<16384xi32, #tpu.memory_space<hbm>> -> memref<512xi32, #tpu.memory_space<hbm>>
      %dma_start3A_8 = tpu.memref_slice %arg3[%mul3A_2] : memref<16384xi32, #tpu.memory_space<hbm>> -> memref<512xi32, #tpu.memory_space<hbm>>
      tpu.enqueue_dma source(%dma_start3A_8 : memref<512xi32, #tpu.memory_space<hbm>>) target(%arg5 : memref<512xi32, #tpu.memory_space<vmem>>) target_semaphore(%run_scoped3A : memref<!tpu.dma_semaphore, #tpu.memory_space<semaphore_mem>>)
      %dma_wait3A_9 = tpu.memref_slice %arg3[%mul3A_2] : memref<16384xi32, #tpu.memory_space<hbm>> -> memref<512xi32, #tpu.memory_space<hbm>>
      %dma_wait3A_10 = tpu.memref_slice %arg3[%mul3A_2] : memref<16384xi32, #tpu.memory_space<hbm>> -> memref<512xi32, #tpu.memory_space<hbm>>
      tpu.wait_dma2 semaphore(%run_scoped3A : memref<!tpu.dma_semaphore, #tpu.memory_space<semaphore_mem>>) src(%dma_wait3A_10 : memref<512xi32, #tpu.memory_space<hbm>>) dst(%arg5 : memref<512xi32, #tpu.memory_space<vmem>>)
      tpu.yield
    }) : () -> ()
    %dma_start3A = arith.constant 0 : i32
    %dma_start3A_3 = arith.constant 0 : i32
    %dma_start3A_4 = tpu.memref_slice %arg2[%dma_start3A, %dma_start3A_3] : memref<1024x128xf32, #tpu.memory_space<hbm>> -> memref<1024x128xf32, #tpu.memory_space<hbm>>
    tpu.enqueue_indirect_dma source(%dma_start3A_4 : memref<1024x128xf32, #tpu.memory_space<hbm>>) target(%arg6 : memref<512x128xf32, #tpu.memory_space<vmem>>) offsets(%arg5 : memref<512xi32, #tpu.memory_space<vmem>>) semaphore(%arg7 : memref<!tpu.dma_semaphore, #tpu.memory_space<semaphore_mem>>)
    %dma_wait3A = arith.constant 0 : i32
    %dma_wait3A_5 = arith.constant 0 : i32
    %dma_wait3A_6 = tpu.memref_slice %arg2[%dma_wait3A, %dma_wait3A_5] : memref<1024x128xf32, #tpu.memory_space<hbm>> -> memref<1024x128xf32, #tpu.memory_space<hbm>>
    tpu.wait_indirect_dma semaphore(%arg7 : memref<!tpu.dma_semaphore, #tpu.memory_space<semaphore_mem>>) src(%dma_wait3A_6 : memref<1024x128xf32, #tpu.memory_space<hbm>>) dst(%arg6 : memref<512x128xf32, #tpu.memory_space<vmem>>)
    "tpu.region"() ({
      %run_scoped3A = tpu.sem_alloc : memref<!tpu.dma_semaphore, #tpu.memory_space<semaphore_mem>>
      %dma_start3A_7 = arith.constant 0 : i32
      %dma_start3A_8 = tpu.memref_slice %arg4[%mul3A_2, %dma_start3A_7] : memref<16384x128xf32, #tpu.memory_space<hbm>> -> memref<512x128xf32, #tpu.memory_space<hbm>>
      %dma_start3A_9 = arith.constant 0 : i32
      %dma_start3A_10 = tpu.memref_slice %arg4[%mul3A_2, %dma_start3A_9] : memref<16384x128xf32, #tpu.memory_space<hbm>> -> memref<512x128xf32, #tpu.memory_space<hbm>>
      tpu.enqueue_dma source(%arg6 : memref<512x128xf32, #tpu.memory_space<vmem>>) target(%dma_start3A_10 : memref<512x128xf32, #tpu.memory_space<hbm>>) target_semaphore(%run_scoped3A : memref<!tpu.dma_semaphore, #tpu.memory_space<semaphore_mem>>)
      %dma_wait3A_11 = arith.constant 0 : i32
      %dma_wait3A_12 = tpu.memref_slice %arg4[%mul3A_2, %dma_wait3A_11] : memref<16384x128xf32, #tpu.memory_space<hbm>> -> memref<512x128xf32, #tpu.memory_space<hbm>>
      %dma_wait3A_13 = arith.constant 0 : i32
      %dma_wait3A_14 = tpu.memref_slice %arg4[%mul3A_2, %dma_wait3A_13] : memref<16384x128xf32, #tpu.memory_space<hbm>> -> memref<512x128xf32, #tpu.memory_space<hbm>>
      tpu.wait_dma2 semaphore(%run_scoped3A : memref<!tpu.dma_semaphore, #tpu.memory_space<semaphore_mem>>) src(%arg6 : memref<512x128xf32, #tpu.memory_space<vmem>>) dst(%dma_wait3A_14 : memref<512x128xf32, #tpu.memory_space<hbm>>)
      tpu.yield
    }) : () -> ()
    return
  }
}

module attributes {stable_mosaic.version = 14 : i64} {
  func.func @_b0_body(%arg0: i32, %arg1: memref<512x256xf32, #tpu.memory_space<vmem>>, %arg2: memref<256x128xf32, #tpu.memory_space<vmem>>, %arg3: memref<1x128xf32, #tpu.memory_space<vmem>>, %arg4: memref<128x64xf32, #tpu.memory_space<vmem>>, %arg5: memref<1x64xf32, #tpu.memory_space<vmem>>, %arg6: memref<64x1024xf32, #tpu.memory_space<vmem>>, %arg7: memref<512x64xf32, #tpu.memory_space<vmem>>, %arg8: memref<512x1xi32, #tpu.memory_space<vmem>>) attributes {dimension_semantics = [#tpu.dimension_semantics<arbitrary>], iteration_bounds = array<i64: 32>, scalar_prefetch = 0 : i64, scratch_operands = 0 : i64, tpu.core_type = #tpu.core_type<tc>, window_params = [{transform_indices = @transform_0, window_bounds = array<i64: 512, 256>}, {pipeline_mode = #tpu.pipeline_mode<synchronous>, transform_indices = @transform_1, window_bounds = array<i64: 256, 128>}, {pipeline_mode = #tpu.pipeline_mode<synchronous>, transform_indices = @transform_2, window_bounds = array<i64: 1, 128>}, {pipeline_mode = #tpu.pipeline_mode<synchronous>, transform_indices = @transform_3, window_bounds = array<i64: 128, 64>}, {pipeline_mode = #tpu.pipeline_mode<synchronous>, transform_indices = @transform_4, window_bounds = array<i64: 1, 64>}, {pipeline_mode = #tpu.pipeline_mode<synchronous>, transform_indices = @transform_5, window_bounds = array<i64: 64, 1024>}, {transform_indices = @transform_6, window_bounds = array<i64: 512, 64>}, {transform_indices = @transform_7, window_bounds = array<i64: 512, 1>}]} {
    %get3A = arith.constant 0 : index
    %get3A_0 = arith.constant 0 : index
    %get3A_1 = vector.load %arg1[%get3A, %get3A_0] : memref<512x256xf32, #tpu.memory_space<vmem>>, vector<512x256xf32>
    %get3A_2 = arith.constant 0 : index
    %get3A_3 = arith.constant 0 : index
    %get3A_4 = vector.load %arg2[%get3A_2, %get3A_3] : memref<256x128xf32, #tpu.memory_space<vmem>>, vector<256x128xf32>
    %dot_general3A = arith.constant dense<0.000000e+00> : vector<512x128xf32>
    %dot_general3A_5 = tpu.matmul %get3A_1, %get3A_4, %dot_general3A {dimension_numbers = #tpu.dot_dimension_numbers<[1], [0], [0], [1], [0, 0, 1, 1], [], []>, transpose_lhs_hint = false} : vector<512x256xf32>, vector<256x128xf32>, vector<512x128xf32> -> vector<512x128xf32>
    %get3A_6 = arith.constant 0 : index
    %get3A_7 = arith.constant 0 : index
    %get3A_8 = vector.load %arg3[%get3A_6, %get3A_7] : memref<1x128xf32, #tpu.memory_space<vmem>>, vector<1x128xf32>
    %add3A = vector.broadcast %get3A_8 : vector<1x128xf32> to vector<512x128xf32>
    %add3A_9 = arith.addf %dot_general3A_5, %add3A : vector<512x128xf32>
    %max3A = arith.constant 0.000000e+00 : f32
    %max3A_10 = vector.broadcast %max3A : f32 to vector<512x128xf32>
    %max3A_11 = arith.maximumf %add3A_9, %max3A_10 : vector<512x128xf32>
    %get3A_12 = arith.constant 0 : index
    %get3A_13 = arith.constant 0 : index
    %get3A_14 = vector.load %arg4[%get3A_12, %get3A_13] : memref<128x64xf32, #tpu.memory_space<vmem>>, vector<128x64xf32>
    %dot_general3A_15 = arith.constant dense<0.000000e+00> : vector<512x64xf32>
    %dot_general3A_16 = tpu.matmul %max3A_11, %get3A_14, %dot_general3A_15 {dimension_numbers = #tpu.dot_dimension_numbers<[1], [0], [0], [1], [0, 0, 1, 1], [], []>, transpose_lhs_hint = false} : vector<512x128xf32>, vector<128x64xf32>, vector<512x64xf32> -> vector<512x64xf32>
    %get3A_17 = arith.constant 0 : index
    %get3A_18 = arith.constant 0 : index
    %get3A_19 = vector.load %arg5[%get3A_17, %get3A_18] : memref<1x64xf32, #tpu.memory_space<vmem>>, vector<1x64xf32>
    %add3A_20 = vector.broadcast %get3A_19 : vector<1x64xf32> to vector<512x64xf32>
    %add3A_21 = arith.addf %dot_general3A_16, %add3A_20 : vector<512x64xf32>
    %swap3A = arith.constant 0 : index
    %swap3A_22 = arith.constant 0 : index
    %swap3A_23 = vector.load %arg7[%swap3A, %swap3A_22] : memref<512x64xf32, #tpu.memory_space<vmem>>, vector<512x64xf32>
    tpu.vector_store %arg7[%swap3A, %swap3A_22], %add3A_21 {strides = array<i32>} : memref<512x64xf32, #tpu.memory_space<vmem>>, vector<512x64xf32>,
    %iota3A = tpu.iota {dimensions = array<i32: 1>} : vector<512x1024xi32>
    %get3A_24 = arith.constant 0 : index
    %get3A_25 = arith.constant 0 : index
    %get3A_26 = vector.load %arg6[%get3A_24, %get3A_25] : memref<64x1024xf32, #tpu.memory_space<vmem>>, vector<64x1024xf32>
    %mul3A = arith.mulf %get3A_26, %get3A_26 : vector<64x1024xf32>
    %reduce_sum3A = arith.constant dense<0.000000e+00> : vector<1024xf32>
    %reduce_sum3A_27 = vector.multi_reduction <add>, %mul3A, %reduce_sum3A [0] : vector<64x1024xf32> to vector<1024xf32>
    %broadcast_in_dim3A = vector.shape_cast %reduce_sum3A_27 : vector<1024xf32> to vector<1x1024xf32>
    %mul3A_28 = arith.mulf %add3A_21, %add3A_21 : vector<512x64xf32>
    %reduce_sum3A_29 = arith.constant dense<0.000000e+00> : vector<512xf32>
    %reduce_sum3A_30 = vector.multi_reduction <add>, %mul3A_28, %reduce_sum3A_29 [1] : vector<512x64xf32> to vector<512xf32>
    %broadcast_in_dim3A_31 = vector.shape_cast %reduce_sum3A_30 : vector<512xf32> to vector<512x1xf32>
    %dot_general3A_32 = arith.constant dense<0.000000e+00> : vector<512x1024xf32>
    %dot_general3A_33 = tpu.matmul %add3A_21, %get3A_26, %dot_general3A_32 {dimension_numbers = #tpu.dot_dimension_numbers<[1], [0], [0], [1], [0, 0, 1, 1], [], []>, transpose_lhs_hint = false} : vector<512x64xf32>, vector<64x1024xf32>, vector<512x1024xf32> -> vector<512x1024xf32>
    %add3A_34 = vector.broadcast %broadcast_in_dim3A_31 : vector<512x1xf32> to vector<512x1024xf32>
    %add3A_35 = vector.broadcast %broadcast_in_dim3A : vector<1x1024xf32> to vector<512x1024xf32>
    %add3A_36 = arith.addf %add3A_34, %add3A_35 : vector<512x1024xf32>
    %mul3A_37 = arith.constant 2.000000e+00 : f32
    %mul3A_38 = vector.broadcast %mul3A_37 : f32 to vector<512x1024xf32>
    %mul3A_39 = arith.mulf %mul3A_38, %dot_general3A_33 : vector<512x1024xf32>
    %sub3A = arith.subf %add3A_36, %mul3A_39 : vector<512x1024xf32>
    %max3A_40 = arith.constant 0.000000e+00 : f32
    %max3A_41 = vector.broadcast %max3A_40 : f32 to vector<512x1024xf32>
    %max3A_42 = arith.maximumf %sub3A, %max3A_41 : vector<512x1024xf32>
    %sqrt3A = math.sqrt %max3A_42 : vector<512x1024xf32>
    %reduce_min3A = arith.constant dense<0x7F800000> : vector<512xf32>
    %reduce_min3A_43 = vector.multi_reduction <minimumf>, %sqrt3A, %reduce_min3A [1] : vector<512x1024xf32> to vector<512xf32>
    %broadcast_in_dim3A_44 = vector.shape_cast %reduce_min3A_43 : vector<512xf32> to vector<512x1xf32>
    %eq3A = vector.broadcast %broadcast_in_dim3A_44 : vector<512x1xf32> to vector<512x1024xf32>
    %eq3A_45 = arith.cmpf oeq, %sqrt3A, %eq3A : vector<512x1024xf32>
    %jit3A = arith.constant 1024 : i32
    %broadcast_in_dim3A_46 = vector.broadcast %jit3A : i32 to vector<512x1024xi32>
    %select_n3A = arith.select %eq3A_45, %iota3A, %broadcast_in_dim3A_46 : vector<512x1024xi1>, vector<512x1024xi32>
    %reduce_min3A_47 = arith.constant dense<2147483647> : vector<512xi32>
    %reduce_min3A_48 = vector.multi_reduction <minsi>, %select_n3A, %reduce_min3A_47 [1] : vector<512x1024xi32> to vector<512xi32>
    %broadcast_in_dim3A_49 = vector.shape_cast %reduce_min3A_48 : vector<512xi32> to vector<512x1xi32>
    %swap3A_50 = arith.constant 0 : index
    %swap3A_51 = arith.constant 0 : index
    %swap3A_52 = vector.load %arg8[%swap3A_50, %swap3A_51] : memref<512x1xi32, #tpu.memory_space<vmem>>, vector<512x1xi32>
    tpu.vector_store %arg8[%swap3A_50, %swap3A_51], %broadcast_in_dim3A_49 {strides = array<i32>} : memref<512x1xi32, #tpu.memory_space<vmem>>, vector<512x1xi32>,
    return
  }
  func.func @transform_0(%arg0: i32) -> (i32, i32) {
    %c0_i32 = arith.constant 0 : i32
    %c0_i32_0 = arith.constant 0 : i32
    return %arg0, %c0_i32 : i32, i32
  }
  func.func @transform_1(%arg0: i32) -> (i32, i32) {
    %c0_i32 = arith.constant 0 : i32
    %c0_i32_0 = arith.constant 0 : i32
    %c0_i32_1 = arith.constant 0 : i32
    return %c0_i32, %c0_i32_0 : i32, i32
  }
  func.func @transform_2(%arg0: i32) -> (i32, i32) {
    %c0_i32 = arith.constant 0 : i32
    %c0_i32_0 = arith.constant 0 : i32
    %c0_i32_1 = arith.constant 0 : i32
    return %c0_i32, %c0_i32_0 : i32, i32
  }
  func.func @transform_3(%arg0: i32) -> (i32, i32) {
    %c0_i32 = arith.constant 0 : i32
    %c0_i32_0 = arith.constant 0 : i32
    %c0_i32_1 = arith.constant 0 : i32
    return %c0_i32, %c0_i32_0 : i32, i32
  }
  func.func @transform_4(%arg0: i32) -> (i32, i32) {
    %c0_i32 = arith.constant 0 : i32
    %c0_i32_0 = arith.constant 0 : i32
    %c0_i32_1 = arith.constant 0 : i32
    return %c0_i32, %c0_i32_0 : i32, i32
  }
  func.func @transform_5(%arg0: i32) -> (i32, i32) {
    %c0_i32 = arith.constant 0 : i32
    %c0_i32_0 = arith.constant 0 : i32
    %c0_i32_1 = arith.constant 0 : i32
    return %c0_i32, %c0_i32_0 : i32, i32
  }
  func.func @transform_6(%arg0: i32) -> (i32, i32) {
    %c0_i32 = arith.constant 0 : i32
    %c0_i32_0 = arith.constant 0 : i32
    return %arg0, %c0_i32 : i32, i32
  }
  func.func @transform_7(%arg0: i32) -> (i32, i32) {
    %c0_i32 = arith.constant 0 : i32
    %c0_i32_0 = arith.constant 0 : i32
    return %arg0, %c0_i32 : i32, i32
  }
}

module attributes {stable_mosaic.version = 14 : i64} {
  func.func @_bs_body(%arg0: i32, %arg1: memref<512x64xf32, #tpu.memory_space<vmem>>, %arg2: memref<512x128xf32, #tpu.memory_space<vmem>>, %arg3: memref<64x1024xf32, #tpu.memory_space<vmem>>, %arg4: memref<512x64xf32, #tpu.memory_space<vmem>>, %arg5: memref<512x1xi32, #tpu.memory_space<vmem>>) attributes {dimension_semantics = [#tpu.dimension_semantics<arbitrary>], iteration_bounds = array<i64: 32>, scalar_prefetch = 0 : i64, scratch_operands = 0 : i64, tpu.core_type = #tpu.core_type<tc>, window_params = [{transform_indices = @transform_0, window_bounds = array<i64: 512, 64>}, {transform_indices = @transform_1, window_bounds = array<i64: 512, 128>}, {pipeline_mode = #tpu.pipeline_mode<synchronous>, transform_indices = @transform_2, window_bounds = array<i64: 64, 1024>}, {transform_indices = @transform_3, window_bounds = array<i64: 512, 64>}, {transform_indices = @transform_4, window_bounds = array<i64: 512, 1>}]} {
    %get3A = arith.constant 0 : index
    %get3A_0 = arith.constant 0 : index
    %get3A_1 = vector.load %arg1[%get3A, %get3A_0] : memref<512x64xf32, #tpu.memory_space<vmem>>, vector<512x64xf32>
    %get3A_2 = arith.constant 0 : index
    %get3A_3 = arith.constant 0 : index
    %get3A_4 = vector.load %arg2[%get3A_2, %get3A_3] : memref<512x128xf32, #tpu.memory_space<vmem>>, vector<512x64xf32>
    %sub3A = arith.subf %get3A_1, %get3A_4 : vector<512x64xf32>
    %swap3A = arith.constant 0 : index
    %swap3A_5 = arith.constant 0 : index
    %swap3A_6 = vector.load %arg4[%swap3A, %swap3A_5] : memref<512x64xf32, #tpu.memory_space<vmem>>, vector<512x64xf32>
    tpu.vector_store %arg4[%swap3A, %swap3A_5], %sub3A {strides = array<i32>} : memref<512x64xf32, #tpu.memory_space<vmem>>, vector<512x64xf32>,
    %iota3A = tpu.iota {dimensions = array<i32: 1>} : vector<512x1024xi32>
    %get3A_7 = arith.constant 0 : index
    %get3A_8 = arith.constant 0 : index
    %get3A_9 = vector.load %arg3[%get3A_7, %get3A_8] : memref<64x1024xf32, #tpu.memory_space<vmem>>, vector<64x1024xf32>
    %mul3A = arith.mulf %get3A_9, %get3A_9 : vector<64x1024xf32>
    %reduce_sum3A = arith.constant dense<0.000000e+00> : vector<1024xf32>
    %reduce_sum3A_10 = vector.multi_reduction <add>, %mul3A, %reduce_sum3A [0] : vector<64x1024xf32> to vector<1024xf32>
    %broadcast_in_dim3A = vector.shape_cast %reduce_sum3A_10 : vector<1024xf32> to vector<1x1024xf32>
    %mul3A_11 = arith.mulf %sub3A, %sub3A : vector<512x64xf32>
    %reduce_sum3A_12 = arith.constant dense<0.000000e+00> : vector<512xf32>
    %reduce_sum3A_13 = vector.multi_reduction <add>, %mul3A_11, %reduce_sum3A_12 [1] : vector<512x64xf32> to vector<512xf32>
    %broadcast_in_dim3A_14 = vector.shape_cast %reduce_sum3A_13 : vector<512xf32> to vector<512x1xf32>
    %dot_general3A = arith.constant dense<0.000000e+00> : vector<512x1024xf32>
    %dot_general3A_15 = tpu.matmul %sub3A, %get3A_9, %dot_general3A {dimension_numbers = #tpu.dot_dimension_numbers<[1], [0], [0], [1], [0, 0, 1, 1], [], []>, transpose_lhs_hint = false} : vector<512x64xf32>, vector<64x1024xf32>, vector<512x1024xf32> -> vector<512x1024xf32>
    %add3A = vector.broadcast %broadcast_in_dim3A_14 : vector<512x1xf32> to vector<512x1024xf32>
    %add3A_16 = vector.broadcast %broadcast_in_dim3A : vector<1x1024xf32> to vector<512x1024xf32>
    %add3A_17 = arith.addf %add3A, %add3A_16 : vector<512x1024xf32>
    %mul3A_18 = arith.constant 2.000000e+00 : f32
    %mul3A_19 = vector.broadcast %mul3A_18 : f32 to vector<512x1024xf32>
    %mul3A_20 = arith.mulf %mul3A_19, %dot_general3A_15 : vector<512x1024xf32>
    %sub3A_21 = arith.subf %add3A_17, %mul3A_20 : vector<512x1024xf32>
    %max3A = arith.constant 0.000000e+00 : f32
    %max3A_22 = vector.broadcast %max3A : f32 to vector<512x1024xf32>
    %max3A_23 = arith.maximumf %sub3A_21, %max3A_22 : vector<512x1024xf32>
    %sqrt3A = math.sqrt %max3A_23 : vector<512x1024xf32>
    %reduce_min3A = arith.constant dense<0x7F800000> : vector<512xf32>
    %reduce_min3A_24 = vector.multi_reduction <minimumf>, %sqrt3A, %reduce_min3A [1] : vector<512x1024xf32> to vector<512xf32>
    %broadcast_in_dim3A_25 = vector.shape_cast %reduce_min3A_24 : vector<512xf32> to vector<512x1xf32>
    %eq3A = vector.broadcast %broadcast_in_dim3A_25 : vector<512x1xf32> to vector<512x1024xf32>
    %eq3A_26 = arith.cmpf oeq, %sqrt3A, %eq3A : vector<512x1024xf32>
    %jit3A = arith.constant 1024 : i32
    %broadcast_in_dim3A_27 = vector.broadcast %jit3A : i32 to vector<512x1024xi32>
    %select_n3A = arith.select %eq3A_26, %iota3A, %broadcast_in_dim3A_27 : vector<512x1024xi1>, vector<512x1024xi32>
    %reduce_min3A_28 = arith.constant dense<2147483647> : vector<512xi32>
    %reduce_min3A_29 = vector.multi_reduction <minsi>, %select_n3A, %reduce_min3A_28 [1] : vector<512x1024xi32> to vector<512xi32>
    %broadcast_in_dim3A_30 = vector.shape_cast %reduce_min3A_29 : vector<512xi32> to vector<512x1xi32>
    %swap3A_31 = arith.constant 0 : index
    %swap3A_32 = arith.constant 0 : index
    %swap3A_33 = vector.load %arg5[%swap3A_31, %swap3A_32] : memref<512x1xi32, #tpu.memory_space<vmem>>, vector<512x1xi32>
    tpu.vector_store %arg5[%swap3A_31, %swap3A_32], %broadcast_in_dim3A_30 {strides = array<i32>} : memref<512x1xi32, #tpu.memory_space<vmem>>, vector<512x1xi32>,
    return
  }
  func.func @transform_0(%arg0: i32) -> (i32, i32) {
    %c0_i32 = arith.constant 0 : i32
    %c0_i32_0 = arith.constant 0 : i32
    return %arg0, %c0_i32 : i32, i32
  }
  func.func @transform_1(%arg0: i32) -> (i32, i32) {
    %c0_i32 = arith.constant 0 : i32
    %c0_i32_0 = arith.constant 0 : i32
    return %arg0, %c0_i32 : i32, i32
  }
  func.func @transform_2(%arg0: i32) -> (i32, i32) {
    %c0_i32 = arith.constant 0 : i32
    %c0_i32_0 = arith.constant 0 : i32
    %c0_i32_1 = arith.constant 0 : i32
    return %c0_i32, %c0_i32_0 : i32, i32
  }
  func.func @transform_3(%arg0: i32) -> (i32, i32) {
    %c0_i32 = arith.constant 0 : i32
    %c0_i32_0 = arith.constant 0 : i32
    return %arg0, %c0_i32 : i32, i32
  }
  func.func @transform_4(%arg0: i32) -> (i32, i32) {
    %c0_i32 = arith.constant 0 : i32
    %c0_i32_0 = arith.constant 0 : i32
    return %arg0, %c0_i32 : i32, i32
  }
}

module attributes {stable_mosaic.version = 14 : i64} {
  func.func @_bs_body(%arg0: i32, %arg1: memref<512x64xf32, #tpu.memory_space<vmem>>, %arg2: memref<512x128xf32, #tpu.memory_space<vmem>>, %arg3: memref<64x1024xf32, #tpu.memory_space<vmem>>, %arg4: memref<512x64xf32, #tpu.memory_space<vmem>>, %arg5: memref<512x1xi32, #tpu.memory_space<vmem>>) attributes {dimension_semantics = [#tpu.dimension_semantics<arbitrary>], iteration_bounds = array<i64: 32>, scalar_prefetch = 0 : i64, scratch_operands = 0 : i64, tpu.core_type = #tpu.core_type<tc>, window_params = [{transform_indices = @transform_0, window_bounds = array<i64: 512, 64>}, {transform_indices = @transform_1, window_bounds = array<i64: 512, 128>}, {pipeline_mode = #tpu.pipeline_mode<synchronous>, transform_indices = @transform_2, window_bounds = array<i64: 64, 1024>}, {transform_indices = @transform_3, window_bounds = array<i64: 512, 64>}, {transform_indices = @transform_4, window_bounds = array<i64: 512, 1>}]} {
    %get3A = arith.constant 0 : index
    %get3A_0 = arith.constant 0 : index
    %get3A_1 = vector.load %arg1[%get3A, %get3A_0] : memref<512x64xf32, #tpu.memory_space<vmem>>, vector<512x64xf32>
    %get3A_2 = arith.constant 0 : index
    %get3A_3 = arith.constant 0 : index
    %get3A_4 = vector.load %arg2[%get3A_2, %get3A_3] : memref<512x128xf32, #tpu.memory_space<vmem>>, vector<512x64xf32>
    %sub3A = arith.subf %get3A_1, %get3A_4 : vector<512x64xf32>
    %swap3A = arith.constant 0 : index
    %swap3A_5 = arith.constant 0 : index
    %swap3A_6 = vector.load %arg4[%swap3A, %swap3A_5] : memref<512x64xf32, #tpu.memory_space<vmem>>, vector<512x64xf32>
    tpu.vector_store %arg4[%swap3A, %swap3A_5], %sub3A {strides = array<i32>} : memref<512x64xf32, #tpu.memory_space<vmem>>, vector<512x64xf32>,
    %iota3A = tpu.iota {dimensions = array<i32: 1>} : vector<512x1024xi32>
    %get3A_7 = arith.constant 0 : index
    %get3A_8 = arith.constant 0 : index
    %get3A_9 = vector.load %arg3[%get3A_7, %get3A_8] : memref<64x1024xf32, #tpu.memory_space<vmem>>, vector<64x1024xf32>
    %mul3A = arith.mulf %get3A_9, %get3A_9 : vector<64x1024xf32>
    %reduce_sum3A = arith.constant dense<0.000000e+00> : vector<1024xf32>
    %reduce_sum3A_10 = vector.multi_reduction <add>, %mul3A, %reduce_sum3A [0] : vector<64x1024xf32> to vector<1024xf32>
    %broadcast_in_dim3A = vector.shape_cast %reduce_sum3A_10 : vector<1024xf32> to vector<1x1024xf32>
    %mul3A_11 = arith.mulf %sub3A, %sub3A : vector<512x64xf32>
    %reduce_sum3A_12 = arith.constant dense<0.000000e+00> : vector<512xf32>
    %reduce_sum3A_13 = vector.multi_reduction <add>, %mul3A_11, %reduce_sum3A_12 [1] : vector<512x64xf32> to vector<512xf32>
    %broadcast_in_dim3A_14 = vector.shape_cast %reduce_sum3A_13 : vector<512xf32> to vector<512x1xf32>
    %dot_general3A = arith.constant dense<0.000000e+00> : vector<512x1024xf32>
    %dot_general3A_15 = tpu.matmul %sub3A, %get3A_9, %dot_general3A {dimension_numbers = #tpu.dot_dimension_numbers<[1], [0], [0], [1], [0, 0, 1, 1], [], []>, transpose_lhs_hint = false} : vector<512x64xf32>, vector<64x1024xf32>, vector<512x1024xf32> -> vector<512x1024xf32>
    %add3A = vector.broadcast %broadcast_in_dim3A_14 : vector<512x1xf32> to vector<512x1024xf32>
    %add3A_16 = vector.broadcast %broadcast_in_dim3A : vector<1x1024xf32> to vector<512x1024xf32>
    %add3A_17 = arith.addf %add3A, %add3A_16 : vector<512x1024xf32>
    %mul3A_18 = arith.constant 2.000000e+00 : f32
    %mul3A_19 = vector.broadcast %mul3A_18 : f32 to vector<512x1024xf32>
    %mul3A_20 = arith.mulf %mul3A_19, %dot_general3A_15 : vector<512x1024xf32>
    %sub3A_21 = arith.subf %add3A_17, %mul3A_20 : vector<512x1024xf32>
    %max3A = arith.constant 0.000000e+00 : f32
    %max3A_22 = vector.broadcast %max3A : f32 to vector<512x1024xf32>
    %max3A_23 = arith.maximumf %sub3A_21, %max3A_22 : vector<512x1024xf32>
    %sqrt3A = math.sqrt %max3A_23 : vector<512x1024xf32>
    %reduce_min3A = arith.constant dense<0x7F800000> : vector<512xf32>
    %reduce_min3A_24 = vector.multi_reduction <minimumf>, %sqrt3A, %reduce_min3A [1] : vector<512x1024xf32> to vector<512xf32>
    %broadcast_in_dim3A_25 = vector.shape_cast %reduce_min3A_24 : vector<512xf32> to vector<512x1xf32>
    %eq3A = vector.broadcast %broadcast_in_dim3A_25 : vector<512x1xf32> to vector<512x1024xf32>
    %eq3A_26 = arith.cmpf oeq, %sqrt3A, %eq3A : vector<512x1024xf32>
    %jit3A = arith.constant 1024 : i32
    %broadcast_in_dim3A_27 = vector.broadcast %jit3A : i32 to vector<512x1024xi32>
    %select_n3A = arith.select %eq3A_26, %iota3A, %broadcast_in_dim3A_27 : vector<512x1024xi1>, vector<512x1024xi32>
    %reduce_min3A_28 = arith.constant dense<2147483647> : vector<512xi32>
    %reduce_min3A_29 = vector.multi_reduction <minsi>, %select_n3A, %reduce_min3A_28 [1] : vector<512x1024xi32> to vector<512xi32>
    %broadcast_in_dim3A_30 = vector.shape_cast %reduce_min3A_29 : vector<512xi32> to vector<512x1xi32>
    %swap3A_31 = arith.constant 0 : index
    %swap3A_32 = arith.constant 0 : index
    %swap3A_33 = vector.load %arg5[%swap3A_31, %swap3A_32] : memref<512x1xi32, #tpu.memory_space<vmem>>, vector<512x1xi32>
    tpu.vector_store %arg5[%swap3A_31, %swap3A_32], %broadcast_in_dim3A_30 {strides = array<i32>} : memref<512x1xi32, #tpu.memory_space<vmem>>, vector<512x1xi32>,
    return
  }
  func.func @transform_0(%arg0: i32) -> (i32, i32) {
    %c0_i32 = arith.constant 0 : i32
    %c0_i32_0 = arith.constant 0 : i32
    return %arg0, %c0_i32 : i32, i32
  }
  func.func @transform_1(%arg0: i32) -> (i32, i32) {
    %c0_i32 = arith.constant 0 : i32
    %c0_i32_0 = arith.constant 0 : i32
    return %arg0, %c0_i32 : i32, i32
  }
  func.func @transform_2(%arg0: i32) -> (i32, i32) {
    %c0_i32 = arith.constant 0 : i32
    %c0_i32_0 = arith.constant 0 : i32
    %c0_i32_1 = arith.constant 0 : i32
    return %c0_i32, %c0_i32_0 : i32, i32
  }
  func.func @transform_3(%arg0: i32) -> (i32, i32) {
    %c0_i32 = arith.constant 0 : i32
    %c0_i32_0 = arith.constant 0 : i32
    return %arg0, %c0_i32 : i32, i32
  }
  func.func @transform_4(%arg0: i32) -> (i32, i32) {
    %c0_i32 = arith.constant 0 : i32
    %c0_i32_0 = arith.constant 0 : i32
    return %arg0, %c0_i32 : i32, i32
  }
}

module attributes {stable_mosaic.version = 14 : i64} {
  func.func @_d_body(%arg0: i32, %arg1: memref<512x128xf32, #tpu.memory_space<vmem>>, %arg2: memref<512x128xf32, #tpu.memory_space<vmem>>, %arg3: memref<512x128xf32, #tpu.memory_space<vmem>>, %arg4: memref<64x128xf32, #tpu.memory_space<vmem>>, %arg5: memref<1x128xf32, #tpu.memory_space<vmem>>, %arg6: memref<128x256xf32, #tpu.memory_space<vmem>>, %arg7: memref<1x256xf32, #tpu.memory_space<vmem>>, %arg8: memref<512x64xf32, #tpu.memory_space<vmem>>, %arg9: memref<512x256xf32, #tpu.memory_space<vmem>>) attributes {dimension_semantics = [#tpu.dimension_semantics<arbitrary>], iteration_bounds = array<i64: 32>, scalar_prefetch = 0 : i64, scratch_operands = 0 : i64, tpu.core_type = #tpu.core_type<tc>, window_params = [{transform_indices = @transform_0, window_bounds = array<i64: 512, 128>}, {transform_indices = @transform_1, window_bounds = array<i64: 512, 128>}, {transform_indices = @transform_2, window_bounds = array<i64: 512, 128>}, {pipeline_mode = #tpu.pipeline_mode<synchronous>, transform_indices = @transform_3, window_bounds = array<i64: 64, 128>}, {pipeline_mode = #tpu.pipeline_mode<synchronous>, transform_indices = @transform_4, window_bounds = array<i64: 1, 128>}, {pipeline_mode = #tpu.pipeline_mode<synchronous>, transform_indices = @transform_5, window_bounds = array<i64: 128, 256>}, {pipeline_mode = #tpu.pipeline_mode<synchronous>, transform_indices = @transform_6, window_bounds = array<i64: 1, 256>}, {transform_indices = @transform_7, window_bounds = array<i64: 512, 64>}, {transform_indices = @transform_8, window_bounds = array<i64: 512, 256>}]} {
    %get3A = arith.constant 0 : index
    %get3A_0 = arith.constant 0 : index
    %get3A_1 = vector.load %arg1[%get3A, %get3A_0] : memref<512x128xf32, #tpu.memory_space<vmem>>, vector<512x64xf32>
    %get3A_2 = arith.constant 0 : index
    %get3A_3 = arith.constant 0 : index
    %get3A_4 = vector.load %arg2[%get3A_2, %get3A_3] : memref<512x128xf32, #tpu.memory_space<vmem>>, vector<512x64xf32>
    %add3A = arith.addf %get3A_1, %get3A_4 : vector<512x64xf32>
    %get3A_5 = arith.constant 0 : index
    %get3A_6 = arith.constant 0 : index
    %get3A_7 = vector.load %arg3[%get3A_5, %get3A_6] : memref<512x128xf32, #tpu.memory_space<vmem>>, vector<512x64xf32>
    %add3A_8 = arith.addf %add3A, %get3A_7 : vector<512x64xf32>
    %swap3A = arith.constant 0 : index
    %swap3A_9 = arith.constant 0 : index
    %swap3A_10 = vector.load %arg8[%swap3A, %swap3A_9] : memref<512x64xf32, #tpu.memory_space<vmem>>, vector<512x64xf32>
    tpu.vector_store %arg8[%swap3A, %swap3A_9], %add3A_8 {strides = array<i32>} : memref<512x64xf32, #tpu.memory_space<vmem>>, vector<512x64xf32>,
    %get3A_11 = arith.constant 0 : index
    %get3A_12 = arith.constant 0 : index
    %get3A_13 = vector.load %arg4[%get3A_11, %get3A_12] : memref<64x128xf32, #tpu.memory_space<vmem>>, vector<64x128xf32>
    %dot_general3A = arith.constant dense<0.000000e+00> : vector<512x128xf32>
    %dot_general3A_14 = tpu.matmul %add3A_8, %get3A_13, %dot_general3A {dimension_numbers = #tpu.dot_dimension_numbers<[1], [0], [0], [1], [0, 0, 1, 1], [], []>, transpose_lhs_hint = false} : vector<512x64xf32>, vector<64x128xf32>, vector<512x128xf32> -> vector<512x128xf32>
    %get3A_15 = arith.constant 0 : index
    %get3A_16 = arith.constant 0 : index
    %get3A_17 = vector.load %arg5[%get3A_15, %get3A_16] : memref<1x128xf32, #tpu.memory_space<vmem>>, vector<1x128xf32>
    %add3A_18 = vector.broadcast %get3A_17 : vector<1x128xf32> to vector<512x128xf32>
    %add3A_19 = arith.addf %dot_general3A_14, %add3A_18 : vector<512x128xf32>
    %max3A = arith.constant 0.000000e+00 : f32
    %max3A_20 = vector.broadcast %max3A : f32 to vector<512x128xf32>
    %max3A_21 = arith.maximumf %add3A_19, %max3A_20 : vector<512x128xf32>
    %get3A_22 = arith.constant 0 : index
    %get3A_23 = arith.constant 0 : index
    %get3A_24 = vector.load %arg6[%get3A_22, %get3A_23] : memref<128x256xf32, #tpu.memory_space<vmem>>, vector<128x256xf32>
    %dot_general3A_25 = arith.constant dense<0.000000e+00> : vector<512x256xf32>
    %dot_general3A_26 = tpu.matmul %max3A_21, %get3A_24, %dot_general3A_25 {dimension_numbers = #tpu.dot_dimension_numbers<[1], [0], [0], [1], [0, 0, 1, 1], [], []>, transpose_lhs_hint = false} : vector<512x128xf32>, vector<128x256xf32>, vector<512x256xf32> -> vector<512x256xf32>
    %get3A_27 = arith.constant 0 : index
    %get3A_28 = arith.constant 0 : index
    %get3A_29 = vector.load %arg7[%get3A_27, %get3A_28] : memref<1x256xf32, #tpu.memory_space<vmem>>, vector<1x256xf32>
    %add3A_30 = vector.broadcast %get3A_29 : vector<1x256xf32> to vector<512x256xf32>
    %add3A_31 = arith.addf %dot_general3A_26, %add3A_30 : vector<512x256xf32>
    %swap3A_32 = arith.constant 0 : index
    %swap3A_33 = arith.constant 0 : index
    %swap3A_34 = vector.load %arg9[%swap3A_32, %swap3A_33] : memref<512x256xf32, #tpu.memory_space<vmem>>, vector<512x256xf32>
    tpu.vector_store %arg9[%swap3A_32, %swap3A_33], %add3A_31 {strides = array<i32>} : memref<512x256xf32, #tpu.memory_space<vmem>>, vector<512x256xf32>,
    return
  }
  func.func @transform_0(%arg0: i32) -> (i32, i32) {
    %c0_i32 = arith.constant 0 : i32
    %c0_i32_0 = arith.constant 0 : i32
    return %arg0, %c0_i32 : i32, i32
  }
  func.func @transform_1(%arg0: i32) -> (i32, i32) {
    %c0_i32 = arith.constant 0 : i32
    %c0_i32_0 = arith.constant 0 : i32
    return %arg0, %c0_i32 : i32, i32
  }
  func.func @transform_2(%arg0: i32) -> (i32, i32) {
    %c0_i32 = arith.constant 0 : i32
    %c0_i32_0 = arith.constant 0 : i32
    return %arg0, %c0_i32 : i32, i32
  }
  func.func @transform_3(%arg0: i32) -> (i32, i32) {
    %c0_i32 = arith.constant 0 : i32
    %c0_i32_0 = arith.constant 0 : i32
    %c0_i32_1 = arith.constant 0 : i32
    return %c0_i32, %c0_i32_0 : i32, i32
  }
  func.func @transform_4(%arg0: i32) -> (i32, i32) {
    %c0_i32 = arith.constant 0 : i32
    %c0_i32_0 = arith.constant 0 : i32
    %c0_i32_1 = arith.constant 0 : i32
    return %c0_i32, %c0_i32_0 : i32, i32
  }
  func.func @transform_5(%arg0: i32) -> (i32, i32) {
    %c0_i32 = arith.constant 0 : i32
    %c0_i32_0 = arith.constant 0 : i32
    %c0_i32_1 = arith.constant 0 : i32
    return %c0_i32, %c0_i32_0 : i32, i32
  }
  func.func @transform_6(%arg0: i32) -> (i32, i32) {
    %c0_i32 = arith.constant 0 : i32
    %c0_i32_0 = arith.constant 0 : i32
    %c0_i32_1 = arith.constant 0 : i32
    return %c0_i32, %c0_i32_0 : i32, i32
  }
  func.func @transform_7(%arg0: i32) -> (i32, i32) {
    %c0_i32 = arith.constant 0 : i32
    %c0_i32_0 = arith.constant 0 : i32
    return %arg0, %c0_i32 : i32, i32
  }
  func.func @transform_8(%arg0: i32) -> (i32, i32) {
    %c0_i32 = arith.constant 0 : i32
    %c0_i32_0 = arith.constant 0 : i32
    return %arg0, %c0_i32 : i32, i32
  }
}

</mosaic_0001>

<sc_bundles>
// kernel: kernel.12.cloned.1.call-start
scs
__scs_entry_jumppad:
0x0: {  	(pc) =	sbr.rel $0x88, $3  }
0x1: {  	(tag) =	ssettag $0x0;
	lr =	simm.s32 $0x1  }
0x2: {  	[smem:$0x3F97] =	sst lr;
	_ =	strace $0xD0000000  }
0x3: {  	_ = 	snop  }
0x4: {  	_ = 	snop  }
0x5: {  	_ = 	snop  }
0x6: {  	_ = 	snop  }
0x7: {  	_ = 	snop  }
__scs_overlays_trampoline_lowered:
0x8: {  	[smem:$0x3FA6] =	sst s0  }
0x9: {  	[smem:$0x3FA7] =	sst s1  }
0xa: {  	[smem:$0x3FA8] =	sst s2  }
0xb: {  	[smem:$0x3FA9] =	sst s3  }
0xc: {  	[smem:$0x3FAA] =	sst s4  }
0xd: {  	[smem:$0x3FAB] =	sst s5  }
0xe: {  	[smem:$0x3FAC] =	sst s6  }
0xf: {  	[smem:$0x3FAD] =	sst s7  }
0x10: {  	[smem:$0x3FAE] =	sst s8  }
0x11: {  	[smem:$0x3FAF] =	sst s9;
	s0 =	simm.s32 @!p0 $0x0  }
0x12: {  	s1 =	sld [smem:$0x3F95];
	s0 =	simm.s32 @p0 $0x1  }
0x13: {  	[smem:$0x3FB0] =	sst s0;
	s0 =	simm.s32 @!p1 $0x0  }
0x14: {  	s2 =	sld [smem:$0x3F94];
	s0 =	simm.s32 @p1 $0x1  }
0x15: {  	[smem:$0x3FB1] =	sst s0;
	s0 =	simm.s32 @!p2 $0x0  }
0x16: {  	s3 =	sld [smem:$0x3FDB];
	s0 =	simm.s32 @p2 $0x1  }
0x17: {  	s4 =	simm.s32 $0x1BF5;
	[smem:$0x3FB3] =	sst s0  }
0x18: {  	s0 =	sld [smem:$0x3F96];
	_ =	swait.ge [sflag:s4], $0x0  }
0x19: {  	s7 =	sld [smem:$0x3F97]  }
0x1a: {  	s8 =	sadd.s32 $0xFFFFE003, lr  }
0x1b: {  	s9 =	sadd.s32 $0xFFFFFEF7, lr;
	s5 =	simm.s32 $0xFFFFFFFF;
	p2 =	slt.u32 s8, $0xFFFFF086  }
0x1c: {  	p1 =	slt.u32 s9, $0xF7A;
	s5 =	simm.s32 @!p2 $0x0  }
0x1d: {  	s5 =	simm.s32 @p1 $0x1;
	p0 =	seq.s32 s7, s2  }
0x1e: {  	s7 =	smul.u32 @!p0 $0xF7A, s2;
	p2 =	seq.s32 @!p0 s5, $0x0  }
0x1f: {  	s9 =	smul.u32 $0xF7A, s1;
	s8 =	simm.s32 @!p0 $0x1BF5;
	p2 =	por !p2, p0  }
0x20: {  	[sflag:s8] =	ssyncset.s32 @!p0 $0xFFFFF086;
	s6 =	sadd.s32 @!p0 s3, s7;
	s7 =	simm.s32 @!p0 $0x108  }
0x21: {  	s3 =	sadd.s32 s3, s9;
	s6 =	sadd.s32 @!p0 $0x88, s6;
	s7 =	simm.s32 @p2 $0x1082  }
0x22: {  	[simem:s7], [sflag:s8] =	dma.local @!p0 [hbm:s6], $0xF7A  }
0x23: {  	s9 =	sor.u32 $0xD0000000, s2;
	s6 =	simm.s32 $0x108;
	_ =	swait.ge @!p0 [sflag:s8], $0x0  }
0x24: {  	s3 =	sadd.s32 $0x88, s3;
	s6 =	simm.s32 @!p1 $0x1082;
	[sflag:s4] =	ssyncset.s32 $0xFFFFF086  }
0x25: {  	[simem:s6], [sflag:s4] =	dma.local [hbm:s3], $0xF7A  }
0x26: {  	[smem:$0x3F97] =	sst s1;
	(tag) =	ssettag s2;
	_ =	strace s9  }
0x27: {  	s1 =	sld [smem:$0x3FA7]  }
0x28: {  	s2 =	sld [smem:$0x3FA8]  }
0x29: {  	s4 =	sld [smem:$0x3FAA]  }
0x2a: {  	p0 =	seq.s32 s5, $0x0;
	s5 =	sld [smem:$0x3FAB]  }
0x2b: {  	s6 =	sld [smem:$0x3FAC]  }
0x2c: {  	s7 =	sld [smem:$0x3FAD]  }
0x2d: {  	s3 =	simm.s32 $0x108;
	s8 =	sld [smem:$0x3FAE]  }
0x2e: {  	s3 =	simm.s32 @!p0 $0x1082;
	s9 =	sld [smem:$0x3FAF]  }
0x2f: {  	lr =	sadd.s32 s0, s3;
	s0 =	sld [smem:$0x3FA6]  }
0x30: {  	s3 =	sld [smem:$0x3FA9]  }
0x31: {  	[smem:$0x3FB2] =	sst s10  }
0x32: {  	s10 =	sld [smem:$0x3FB0];
	_ =	sdelay $0x3  }
0x33: {  	p0 =	seq.s32 s10, $0x1;
	s10 =	sld [smem:$0x3FB2];
	_ =	sdelay $0x3  }
0x34: {  	[smem:$0x3FB2] =	sst s10  }
0x35: {  	s10 =	sld [smem:$0x3FB1];
	_ =	sdelay $0x3  }
0x36: {  	p1 =	seq.s32 s10, $0x1;
	s10 =	sld [smem:$0x3FB2];
	_ =	sdelay $0x3  }
0x37: {  	[smem:$0x3FB2] =	sst s10  }
0x38: {  	s10 =	sld [smem:$0x3FB3]  }
0x39: {  	_ = 	snop;
	(pc) =	sbr.ind lr, $3  }
0x3a: {  	_ = 	snop  }
0x3b: {  	_ = 	snop  }
0x3c: {  	p2 =	seq.s32 s10, $0x1;
	s10 =	sld [smem:$0x3FB2]  }
0x3d: {  	_ =	shalt  }
0x3e: {  	_ =	shalt  }
0x3f: {  	_ =	shalt  }
0x40: {  	_ =	shalt  }
0x41: {  	_ =	shalt  }
0x42: {  	_ =	shalt  }
0x43: {  	_ =	shalt  }
0x44: {  	_ =	shalt  }
0x45: {  	_ =	shalt  }
0x46: {  	_ =	shalt  }
0x47: {  	_ =	shalt  }
0x48: {  	_ =	shalt  }
0x49: {  	_ =	shalt  }
0x4a: {  	_ =	shalt  }
0x4b: {  	_ =	shalt  }
0x4c: {  	_ =	shalt  }
0x4d: {  	_ =	shalt  }
0x4e: {  	_ =	shalt  }
0x4f: {  	_ =	shalt  }
0x50: {  	_ =	shalt  }
0x51: {  	_ =	shalt  }
0x52: {  	_ =	shalt  }
0x53: {  	_ =	shalt  }
0x54: {  	_ =	shalt  }
0x55: {  	_ =	shalt  }
0x56: {  	_ =	shalt  }
0x57: {  	_ =	shalt  }
0x58: {  	_ =	shalt  }
0x59: {  	_ =	shalt  }
0x5a: {  	_ =	shalt  }
0x5b: {  	_ =	shalt  }
0x5c: {  	_ =	shalt  }
0x5d: {  	_ =	shalt  }
0x5e: {  	_ =	shalt  }
0x5f: {  	_ =	shalt  }
0x60: {  	_ =	shalt  }
0x61: {  	_ =	shalt  }
0x62: {  	_ =	shalt  }
0x63: {  	_ =	shalt  }
0x64: {  	_ =	shalt  }
0x65: {  	_ =	shalt  }
0x66: {  	_ =	shalt  }
0x67: {  	_ =	shalt  }
0x68: {  	_ =	shalt  }
0x69: {  	_ =	shalt  }
0x6a: {  	_ =	shalt  }
0x6b: {  	_ =	shalt  }
0x6c: {  	_ =	shalt  }
0x6d: {  	_ =	shalt  }
0x6e: {  	_ =	shalt  }
0x6f: {  	_ =	shalt  }
0x70: {  	_ =	shalt  }
0x71: {  	_ =	shalt  }
0x72: {  	_ =	shalt  }
0x73: {  	_ =	shalt  }
0x74: {  	_ =	shalt  }
0x75: {  	_ =	shalt  }
0x76: {  	_ =	shalt  }
0x77: {  	_ =	shalt  }
0x78: {  	_ =	shalt  }
0x79: {  	_ =	shalt  }
0x7a: {  	_ =	shalt  }
0x7b: {  	_ =	shalt  }
0x7c: {  	_ =	shalt  }
0x7d: {  	_ =	shalt  }
0x7e: {  	_ =	shalt  }
0x7f: {  	_ =	shalt  }
0x80: {  	_ =	shalt  }
0x81: {  	_ =	shalt  }
0x82: {  	_ =	shalt  }
0x83: {  	_ =	shalt  }
0x84: {  	_ =	shalt  }
0x85: {  	_ =	shalt  }
0x86: {  	_ =	shalt  }
0x87: {  	_ =	shalt  }
.Lfunc_end0:
.L_simem_size_0:
called_computation.1_lowered:
.L_overlay_start_0:
0x88: {  	s2 =	sld [smem:$0x3FD9]  }
0x89: {  	s3 =	sld [smem:$0x3FFE];
	_ =	sdelay $0x1  }
0x8a: {  	s1 =	srdreg.scid  }
0x8b: {  	s0 =	sand.u32 $0x1, s1  }
0x8c: {  	s14 =	sshll.u32 s0, $0xA;
	s2 =	sadd.s32 s3, s2  }
0x8d: {  	s2 =	sadd.s32 s2, s14  }
0x8e: {  	[smem:$0x3FBE] =	sst s2  }
0x8f: {  	_ = 	snop  }
0x90: {  	s2 =	sld [smem:$0x3FD0];
	_ =	sdelay $0x2  }
0x91: {  	s15 =	simm.s32 $0xA;
	s4 =	simm.s32 $0x10  }
0x92: {  	[smem:s4], [sflag:s15] =	dma.local [hbm:s2], $0x1  }
0x93: {  	_ =	swait.eq [sflag:s15], $0x1  }
0x94: {  	[sflag:s15] =	ssyncset.done $0x0  }
0x95: {  	[sflag:s15] =	ssyncadd.s32 $0xFFFFFFFF  }
0x96: {  	s16 =	sld [smem:$0x11];
	(tm) =	ssettm $0x1  }
0x97: {  	s17 =	sld [smem:$0x3FFB];
	_ =	sdelay $0x3  }
0x98: {  	_ =	strace s17  }
0x99: {  	s3 =	sld [smem:$0x3FFC];
	_ =	sdelay $0x3  }
0x9a: {  	_ =	strace s3  }
0x9b: {  	s3 =	sld [smem:$0x3FFD];
	_ =	sdelay $0x3  }
0x9c: {  	_ =	strace s3  }
0x9d: {  	_ =	strace $0x8FFFFFFF  }
0x9e: {  	s18 =	sld [smem:$0x3FDB];
	_ =	sdelay $0x1  }
0x9f: {  	s19 =	simm.s32 $_scs_section_size  }
0xa0: {  	s5 =	simm.s32 $_size__tile_overlayer_lowered;
	s6 =	simm.s32 $_tile_overlayer_lowered  }
0xa1: {  	s22 =	simm.s32 $0x1BFF;
	s21 =	sshll.u32 s6, $0x1;
	s3 =	sadd.s32 s19, s18  }
0xa2: {  	s7 =	simm.s32 $0x0;
	s20 =	sshll.u32 s5, $0x1;
	s5 =	sadd.s32 s21, s3  }
0xa3: {  	[timem:s7], [sflag:s22] =	dma.local [hbm:s5], s20  }
0xa4: {  	_ =	swait.ge [sflag:s22], s20  }
0xa5: {  	s4 =	ssub.s32 $0x0, s20;
	[sflag:s22] =	ssyncset.done $0x0  }
0xa6: {  	[sflag:s22] =	ssyncadd.s32 s4;
	_ =	sdelay $0x1  }
0xa7: {  	s23 =	simm.s32 $0x1B8B  }
0xa8: {  	_ =	swait.ge [sflag:s23], $0x1  }
0xa9: {  	[sflag:s23] =	ssyncset.done $0x0  }
0xaa: {  	s25 =	simm.s32 $0x1B8E;
	s24 =	sld [smem:$0x3FFE];
	[sflag:s23] =	ssyncadd.s32 $0xFFFFFFFF  }
0xab: {  	s26 =	simm.s32 $execute0_lowered;
	[smem:$0x3FD2] =	sst s25  }
0xac: {  	s5 =	sshll.u32 s26, $0x1;
	_ =	strace $0x80000049;
	[dreg:$0x1] =	wrdreg $0xFFFFFFFF  }
0xad: {  	s28 =	simm.s32 $_size_execute0_lowered;
	s3 =	sadd.s32 s3, s5;
	[dreg:$0x0] =	wrdreg $0x0  }
0xae: {  	s5 =	sshll.u32 s28, $0x1;
	[dreg:$0x2] =	wrdreg s3  }
0xaf: {  	[dreg:$0x3] =	wrdreg s5  }
0xb0: {  	[dreg:$0x4] =	wrdreg $0xC0  }
0xb1: {  	_ =	task [dreg:s7], $0x5FFFF  }
0xb2: {  	[dreg:$0x1] =	wrdreg $0xFFFFFFFF  }
0xb3: {  	[dreg:$0x0] =	wrdreg $0x60  }
0xb4: {  	[dreg:$0x2] =	wrdreg s24  }
0xb5: {  	[dreg:$0x3] =	wrdreg s16  }
0xb6: {  	[dreg:$0x4] =	wrdreg $0x9  }
0xb7: {  	_ =	task.clear_ibuf [dreg:s7], $0x5FFFF;
	_ =	strace $0x90000049  }
0xb8: {  	s29 =	simm.s32 $0x9;
	_ =	strace $0x8000004B  }
0xb9: {  	_ =	swait.ge [sflag:s29], $0x1  }
0xba: {  	[sflag:s29] =	ssyncadd.s32 $0xFFFFFFFF  }
0xbb: {  	_ =	strace $0x9000004B  }
0xbc: {  	_ =	sfence  }
0xbd: {  	s30 =	sld [smem:$0x0];
	_ =	sdelay $0x2  }
0xbe: {  	s31 =	sshll.u32 s1, $0xD;
	s1 =	sshrl.u32 s1, $0x2  }
0xbf: {  	s3 =	sand.u32 $0x4000, s31;
	s1 =	sadd.s32 s1, s30  }
0xc0: {  	s0 =	sor.u32 s3, s0;
	s1 =	sshll.u32 s1, $0x11  }
0xc1: {  	s0 =	sor.u32 s1, s0  }
0xc2: {  	s0 =	sadd.s32 $0x8F2B, s0  }
0xc3: {  	[sflag:s0] =	ssyncadd.remote.s32 $0x1  }
0xc4: {  	_ =	sfence.sel $0xFFFF  }
0xc5: {  	[dreg:$0x0] =	wrdreg $0xFFFFFFFF;
	(pc) =	sbr.abs _section_cstart, $3  }
0xc6: {  	[dreg:$0x1] =	wrdreg $0xFFFFFFFF  }
0xc7: {  	_ =	task.clear_ibuf [dreg:s7], $0x2FFFF;
	_ =	strace $0x9FFFFFFF  }
0xc8: {  	(tm) =	ssettm $0x7FFFFFFF  }
0xc9: {  	_ =	shalt  }
tec
execute0_lowered:
.L_overlay_start_1:
0x0: {  	(tag) =	ssettag $0x1  }
0x1: {  	s1 =	srdreg.scid  }
0x2: {  	s8 =	rddreg [dreg:$0x0];
	s0 =	stileid.u32  }
0x3: {  	s3 =	rddreg [dreg:$0x1];
	s2 =	simm.s32 $0x0;
	s6 =	sand.u32 $0x1, s1  }
0x4: {  	s4 =	sshll.u32 s0, $0xA;
	s1 =	rddreg [dreg:$0x2];
	s5 =	sshll.u32 s6, $0x9  }
0x5: {  	s7 =	simm.s32 $0x1;
	[smem:$0x7FF] =	sst s2;
	s9 =	sor.u32 s5, s4  }
0x6: {  	_ =	strace $0x8000004A;
	s10 =	ssub.s32 $0x2, s6;
	s4 =	sshrl.u32 s9, $0x3  }
0x7: {  	s6 =	simm.s32 $0x200;
	s4 =	sadd.s32 s3, s4;
	s3 =	simm.s32 $0x2  }
0x8: {  	[tilespmem:s2], [sflag:$0x2] =	stream.linear.gather [hbm4b:s4+s2], $0x200, $0x38;
	[tilespmem:$0x10200] =	vst v63  }
0x9: {  	s5 =	sadd.s32 $0x6C00, s8;
	s11 =	sshrl.u32 s10, $0x1;
	_ =	swait.ge [sflag:s3], $0x200  }
0xa: {  	s9 =	sshll.u32 s9, $0x4;
	s31 =	ssub.s32 s10, s11;
	[sflag:s3] =	ssyncset.done $0x0  }
0xb: {  	s8 =	sadd.s32 s9, s8;
	s9 =	smax.u32 s31, $0x1;
	[sflag:s3] =	ssyncadd.s32 $0xFFFFFE00  }
0xc: {  	[tilespmem:s6], [sflag:$0x1] =	stream.indirect.gather [hbm4b:s5+s6], $0x80, s2, s6, $0xb8;
	[tilespmem:$0x10200] =	vst v63  }
0xd: {  	p0 =	sne.s32 s9, $0x1;
	_ =	swait.ge [sflag:s7], $0x10000  }
.Ltmp0:
0xe: {  	[sflag:s7] =	ssyncset.done $0x0;
	(pc) =	sbr.rel @!p0 .LBB2_2-.Ltmp0, $4  }
0xf: {  	s8 =	sadd.s32 $0x8AC00, s8;
	[sflag:s7] =	ssyncadd.s32 $0xFFFF0000  }
0x10: {  	[hbm4b:s8+s2] =	stream.linear.scatter [tilespmem:s6], [sflag:$0x2], $0x10000, $0x38;
	[tilespmem:$0x10200] =	vst v63  }
0x11: {  	_ =	swait.ge [sflag:s3], $0x10000  }
0x12: {  	s9 =	sadd.s32 $0xFFFFFFFF, s9;
	[sflag:s3] =	ssyncset.done $0x0  }
.LBB2_1:
0x13: {  	p0 =	sne.s32 s9, $0x1;
	s9 =	sadd.s32 $0xFFFFFFFF, s9;
	[sflag:s3] =	ssyncadd.s32 $0xFFFF0000  }
0x14: {  	[tilespmem:s2], [sflag:$0x2] =	stream.linear.gather [hbm4b:s4+s2], $0x200, $0x38;
	[tilespmem:$0x10200] =	vst v63  }
0x15: {  	_ =	swait.ge [sflag:s3], $0x200  }
0x16: {  	[sflag:s3] =	ssyncset.done $0x0  }
0x17: {  	[sflag:s3] =	ssyncadd.s32 $0xFFFFFE00  }
0x18: {  	[tilespmem:s6], [sflag:$0x1] =	stream.indirect.gather [hbm4b:s5+s6], $0x80, s2, s6, $0xb8;
	[tilespmem:$0x10200] =	vst v63  }
0x19: {  	_ =	swait.ge [sflag:s7], $0x10000  }
.Ltmp1:
0x1a: {  	[sflag:s7] =	ssyncset.done $0x0;
	(pc) =	sbr.rel @p0 .LBB2_1-.Ltmp1, $4  }
0x1b: {  	[sflag:s7] =	ssyncadd.s32 $0xFFFF0000  }
0x1c: {  	[hbm4b:s8+s2] =	stream.linear.scatter [tilespmem:s6], [sflag:$0x2], $0x10000, $0x38;
	[tilespmem:$0x10200] =	vst v63  }
0x1d: {  	_ =	swait.ge [sflag:s3], $0x10000  }
0x1e: {  	[sflag:s3] =	ssyncset.done $0x0  }
.LBB2_2:
0x1f: {  	[sflag:s3] =	ssyncadd.s32 $0xFFFF0000  }
0x20: {  	_ =	sfence.sel $0x180000  }
0x21: {  	[bflag:$0x0] =	sbarrier.arrive $0xFFFF  }
0x22: {  	p0 =	sne.s32 s0, $0x0;
	_ =	strace $0x9000004A  }
0x23: {  	s0 =	sadd.s32 @!p0 $0x100000, s1;
	[bflag:$0x2] =	sbarrier.arrive $0xFFFF  }
0x24: {  	[sflag:s0] =	ssyncadd.tile.s32 @!p0 $0x1;
	_ =	shalt  }
.Lfunc_end2:
_tile_overlayer_lowered:
.L_overlay_start_2:
0x25: {  	(tag) =	ssettag $0x2  }
0x26: {  	s0 =	rddreg [dreg:$0x0];
	s2 =	stileid.u32  }
0x27: {  	s1 =	rddreg [dreg:$0x1];
	p0 =	sne.s32 s2, $0x0  }
0x28: {  	s3 =	rddreg [dreg:$0x2];
	[bflag:$0x3] =	sbarrier.arrive $0xFFFF;
	s2 =	simm.s32 @!p0 $0x1C02  }
0x29: {  	[timem:s3], [sflag:s2] =	dma.local @!p0 [hbm:s0], s1  }
0x2a: {  	s0 =	simm.s32 @!p0 $0x2  }
0x2b: {  	_ =	swait.ge @!p0 [sflag:s0], s1  }
0x2c: {  	s1 =	ssub.s32 @!p0 $0x0, s1;
	[sflag:s0] =	ssyncset.done @!p0 $0x0  }
0x2d: {  	[sflag:s0] =	ssyncadd.s32 @!p0 s1  }
0x2e: {  	[bflag:$0x3] =	sbarrier.arrive $0xFFFF  }
0x2f: {  	_ =	shalt  }

// kernel: kernel.15.cloned.1.call-start
scs
__scs_entry_jumppad:
0x0: {  	(pc) =	sbr.rel $0x88, $3  }
0x1: {  	(tag) =	ssettag $0x0;
	lr =	simm.s32 $0x1  }
0x2: {  	[smem:$0x3F97] =	sst lr;
	_ =	strace $0xD0000000  }
0x3: {  	_ = 	snop  }
0x4: {  	_ = 	snop  }
0x5: {  	_ = 	snop  }
0x6: {  	_ = 	snop  }
0x7: {  	_ = 	snop  }
__scs_overlays_trampoline_lowered:
0x8: {  	[smem:$0x3FA6] =	sst s0  }
0x9: {  	[smem:$0x3FA7] =	sst s1  }
0xa: {  	[smem:$0x3FA8] =	sst s2  }
0xb: {  	[smem:$0x3FA9] =	sst s3  }
0xc: {  	[smem:$0x3FAA] =	sst s4  }
0xd: {  	[smem:$0x3FAB] =	sst s5  }
0xe: {  	[smem:$0x3FAC] =	sst s6  }
0xf: {  	[smem:$0x3FAD] =	sst s7  }
0x10: {  	[smem:$0x3FAE] =	sst s8  }
0x11: {  	[smem:$0x3FAF] =	sst s9;
	s0 =	simm.s32 @!p0 $0x0  }
0x12: {  	s1 =	sld [smem:$0x3F95];
	s0 =	simm.s32 @p0 $0x1  }
0x13: {  	[smem:$0x3FB0] =	sst s0;
	s0 =	simm.s32 @!p1 $0x0  }
0x14: {  	s2 =	sld [smem:$0x3F94];
	s0 =	simm.s32 @p1 $0x1  }
0x15: {  	[smem:$0x3FB1] =	sst s0;
	s0 =	simm.s32 @!p2 $0x0  }
0x16: {  	s3 =	sld [smem:$0x3FDB];
	s0 =	simm.s32 @p2 $0x1  }
0x17: {  	s4 =	simm.s32 $0x1BF5;
	[smem:$0x3FB3] =	sst s0  }
0x18: {  	s0 =	sld [smem:$0x3F96];
	_ =	swait.ge [sflag:s4], $0x0  }
0x19: {  	s7 =	sld [smem:$0x3F97]  }
0x1a: {  	s8 =	sadd.s32 $0xFFFFE003, lr  }
0x1b: {  	s9 =	sadd.s32 $0xFFFFFEF7, lr;
	s5 =	simm.s32 $0xFFFFFFFF;
	p2 =	slt.u32 s8, $0xFFFFF086  }
0x1c: {  	p1 =	slt.u32 s9, $0xF7A;
	s5 =	simm.s32 @!p2 $0x0  }
0x1d: {  	s5 =	simm.s32 @p1 $0x1;
	p0 =	seq.s32 s7, s2  }
0x1e: {  	s7 =	smul.u32 @!p0 $0xF7A, s2;
	p2 =	seq.s32 @!p0 s5, $0x0  }
0x1f: {  	s9 =	smul.u32 $0xF7A, s1;
	s8 =	simm.s32 @!p0 $0x1BF5;
	p2 =	por !p2, p0  }
0x20: {  	[sflag:s8] =	ssyncset.s32 @!p0 $0xFFFFF086;
	s6 =	sadd.s32 @!p0 s3, s7;
	s7 =	simm.s32 @!p0 $0x108  }
0x21: {  	s3 =	sadd.s32 s3, s9;
	s6 =	sadd.s32 @!p0 $0x88, s6;
	s7 =	simm.s32 @p2 $0x1082  }
0x22: {  	[simem:s7], [sflag:s8] =	dma.local @!p0 [hbm:s6], $0xF7A  }
0x23: {  	s9 =	sor.u32 $0xD0000000, s2;
	s6 =	simm.s32 $0x108;
	_ =	swait.ge @!p0 [sflag:s8], $0x0  }
0x24: {  	s3 =	sadd.s32 $0x88, s3;
	s6 =	simm.s32 @!p1 $0x1082;
	[sflag:s4] =	ssyncset.s32 $0xFFFFF086  }
0x25: {  	[simem:s6], [sflag:s4] =	dma.local [hbm:s3], $0xF7A  }
0x26: {  	[smem:$0x3F97] =	sst s1;
	(tag) =	ssettag s2;
	_ =	strace s9  }
0x27: {  	s1 =	sld [smem:$0x3FA7]  }
0x28: {  	s2 =	sld [smem:$0x3FA8]  }
0x29: {  	s4 =	sld [smem:$0x3FAA]  }
0x2a: {  	p0 =	seq.s32 s5, $0x0;
	s5 =	sld [smem:$0x3FAB]  }
0x2b: {  	s6 =	sld [smem:$0x3FAC]  }
0x2c: {  	s7 =	sld [smem:$0x3FAD]  }
0x2d: {  	s3 =	simm.s32 $0x108;
	s8 =	sld [smem:$0x3FAE]  }
0x2e: {  	s3 =	simm.s32 @!p0 $0x1082;
	s9 =	sld [smem:$0x3FAF]  }
0x2f: {  	lr =	sadd.s32 s0, s3;
	s0 =	sld [smem:$0x3FA6]  }
0x30: {  	s3 =	sld [smem:$0x3FA9]  }
0x31: {  	[smem:$0x3FB2] =	sst s10  }
0x32: {  	s10 =	sld [smem:$0x3FB0];
	_ =	sdelay $0x3  }
0x33: {  	p0 =	seq.s32 s10, $0x1;
	s10 =	sld [smem:$0x3FB2];
	_ =	sdelay $0x3  }
0x34: {  	[smem:$0x3FB2] =	sst s10  }
0x35: {  	s10 =	sld [smem:$0x3FB1];
	_ =	sdelay $0x3  }
0x36: {  	p1 =	seq.s32 s10, $0x1;
	s10 =	sld [smem:$0x3FB2];
	_ =	sdelay $0x3  }
0x37: {  	[smem:$0x3FB2] =	sst s10  }
0x38: {  	s10 =	sld [smem:$0x3FB3]  }
0x39: {  	_ = 	snop;
	(pc) =	sbr.ind lr, $3  }
0x3a: {  	_ = 	snop  }
0x3b: {  	_ = 	snop  }
0x3c: {  	p2 =	seq.s32 s10, $0x1;
	s10 =	sld [smem:$0x3FB2]  }
0x3d: {  	_ =	shalt  }
0x3e: {  	_ =	shalt  }
0x3f: {  	_ =	shalt  }
0x40: {  	_ =	shalt  }
0x41: {  	_ =	shalt  }
0x42: {  	_ =	shalt  }
0x43: {  	_ =	shalt  }
0x44: {  	_ =	shalt  }
0x45: {  	_ =	shalt  }
0x46: {  	_ =	shalt  }
0x47: {  	_ =	shalt  }
0x48: {  	_ =	shalt  }
0x49: {  	_ =	shalt  }
0x4a: {  	_ =	shalt  }
0x4b: {  	_ =	shalt  }
0x4c: {  	_ =	shalt  }
0x4d: {  	_ =	shalt  }
0x4e: {  	_ =	shalt  }
0x4f: {  	_ =	shalt  }
0x50: {  	_ =	shalt  }
0x51: {  	_ =	shalt  }
0x52: {  	_ =	shalt  }
0x53: {  	_ =	shalt  }
0x54: {  	_ =	shalt  }
0x55: {  	_ =	shalt  }
0x56: {  	_ =	shalt  }
0x57: {  	_ =	shalt  }
0x58: {  	_ =	shalt  }
0x59: {  	_ =	shalt  }
0x5a: {  	_ =	shalt  }
0x5b: {  	_ =	shalt  }
0x5c: {  	_ =	shalt  }
0x5d: {  	_ =	shalt  }
0x5e: {  	_ =	shalt  }
0x5f: {  	_ =	shalt  }
0x60: {  	_ =	shalt  }
0x61: {  	_ =	shalt  }
0x62: {  	_ =	shalt  }
0x63: {  	_ =	shalt  }
0x64: {  	_ =	shalt  }
0x65: {  	_ =	shalt  }
0x66: {  	_ =	shalt  }
0x67: {  	_ =	shalt  }
0x68: {  	_ =	shalt  }
0x69: {  	_ =	shalt  }
0x6a: {  	_ =	shalt  }
0x6b: {  	_ =	shalt  }
0x6c: {  	_ =	shalt  }
0x6d: {  	_ =	shalt  }
0x6e: {  	_ =	shalt  }
0x6f: {  	_ =	shalt  }
0x70: {  	_ =	shalt  }
0x71: {  	_ =	shalt  }
0x72: {  	_ =	shalt  }
0x73: {  	_ =	shalt  }
0x74: {  	_ =	shalt  }
0x75: {  	_ =	shalt  }
0x76: {  	_ =	shalt  }
0x77: {  	_ =	shalt  }
0x78: {  	_ =	shalt  }
0x79: {  	_ =	shalt  }
0x7a: {  	_ =	shalt  }
0x7b: {  	_ =	shalt  }
0x7c: {  	_ =	shalt  }
0x7d: {  	_ =	shalt  }
0x7e: {  	_ =	shalt  }
0x7f: {  	_ =	shalt  }
0x80: {  	_ =	shalt  }
0x81: {  	_ =	shalt  }
0x82: {  	_ =	shalt  }
0x83: {  	_ =	shalt  }
0x84: {  	_ =	shalt  }
0x85: {  	_ =	shalt  }
0x86: {  	_ =	shalt  }
0x87: {  	_ =	shalt  }
.Lfunc_end0:
.L_simem_size_0:
called_computation.2_lowered:
.L_overlay_start_0:
0x88: {  	s2 =	sld [smem:$0x3FD9]  }
0x89: {  	s3 =	sld [smem:$0x3FFE];
	_ =	sdelay $0x1  }
0x8a: {  	s1 =	srdreg.scid  }
0x8b: {  	s0 =	sand.u32 $0x1, s1  }
0x8c: {  	s14 =	sshll.u32 s0, $0xA;
	s2 =	sadd.s32 s3, s2  }
0x8d: {  	s2 =	sadd.s32 s2, s14  }
0x8e: {  	[smem:$0x3FBE] =	sst s2  }
0x8f: {  	_ = 	snop  }
0x90: {  	s2 =	sld [smem:$0x3FD0];
	_ =	sdelay $0x2  }
0x91: {  	s15 =	simm.s32 $0xA;
	s4 =	simm.s32 $0x10  }
0x92: {  	[smem:s4], [sflag:s15] =	dma.local [hbm:s2], $0x1  }
0x93: {  	_ =	swait.eq [sflag:s15], $0x1  }
0x94: {  	[sflag:s15] =	ssyncset.done $0x0  }
0x95: {  	s16 =	sld [smem:$0x10];
	[sflag:s15] =	ssyncadd.s32 $0xFFFFFFFF  }
0x96: {  	s17 =	sld [smem:$0x12];
	(tm) =	ssettm $0x1  }
0x97: {  	s18 =	sld [smem:$0x3FFB];
	_ =	sdelay $0x3  }
0x98: {  	_ =	strace s18  }
0x99: {  	s4 =	sld [smem:$0x3FFC];
	_ =	sdelay $0x3  }
0x9a: {  	_ =	strace s4  }
0x9b: {  	s4 =	sld [smem:$0x3FFD];
	_ =	sdelay $0x3  }
0x9c: {  	_ =	strace s4  }
0x9d: {  	_ =	strace $0x8FFFFFFF  }
0x9e: {  	s19 =	sld [smem:$0x3FDB];
	_ =	sdelay $0x1  }
0x9f: {  	s5 =	simm.s32 $_scs_section_size  }
0xa0: {  	s6 =	simm.s32 $_size__tile_overlayer_lowered;
	s7 =	simm.s32 $_tile_overlayer_lowered  }
0xa1: {  	s22 =	simm.s32 $0x1BFF;
	s21 =	sshll.u32 s7, $0x1;
	s4 =	sadd.s32 s5, s19  }
0xa2: {  	s8 =	simm.s32 $0x0;
	s20 =	sshll.u32 s6, $0x1;
	s6 =	sadd.s32 s21, s4  }
0xa3: {  	[timem:s8], [sflag:s22] =	dma.local [hbm:s6], s20  }
0xa4: {  	_ =	swait.ge [sflag:s22], s20  }
0xa5: {  	s5 =	ssub.s32 $0x0, s20;
	[sflag:s22] =	ssyncset.done $0x0  }
0xa6: {  	[sflag:s22] =	ssyncadd.s32 s5;
	_ =	sdelay $0x1  }
0xa7: {  	s23 =	simm.s32 $0x1B8B  }
0xa8: {  	_ =	swait.ge [sflag:s23], $0x1  }
0xa9: {  	[sflag:s23] =	ssyncset.done $0x0  }
0xaa: {  	s25 =	simm.s32 $0x1B8E;
	s24 =	sld [smem:$0x3FFE];
	[sflag:s23] =	ssyncadd.s32 $0xFFFFFFFF  }
0xab: {  	s26 =	simm.s32 $execute0_lowered;
	[smem:$0x3FD2] =	sst s25  }
0xac: {  	s6 =	sshll.u32 s26, $0x1;
	_ =	strace $0x8000004C;
	[dreg:$0x1] =	wrdreg $0xFFFFFFFF  }
0xad: {  	s28 =	simm.s32 $_size_execute0_lowered;
	s4 =	sadd.s32 s4, s6;
	[dreg:$0x0] =	wrdreg $0x0  }
0xae: {  	s6 =	sshll.u32 s28, $0x1;
	[dreg:$0x2] =	wrdreg s4  }
0xaf: {  	[dreg:$0x3] =	wrdreg s6  }
0xb0: {  	[dreg:$0x4] =	wrdreg $0xC0  }
0xb1: {  	_ =	task [dreg:s8], $0x5FFFF  }
0xb2: {  	[dreg:$0x1] =	wrdreg $0xFFFFFFFF  }
0xb3: {  	[dreg:$0x0] =	wrdreg $0x60  }
0xb4: {  	[dreg:$0x2] =	wrdreg s16  }
0xb5: {  	[dreg:$0x3] =	wrdreg s17  }
0xb6: {  	[dreg:$0x4] =	wrdreg s24  }
0xb7: {  	[dreg:$0x5] =	wrdreg $0x9  }
0xb8: {  	_ =	task.clear_ibuf [dreg:s8], $0x6FFFF;
	_ =	strace $0x9000004C  }
0xb9: {  	s29 =	simm.s32 $0x9;
	_ =	strace $0x8000004E  }
0xba: {  	_ =	swait.ge [sflag:s29], $0x1  }
0xbb: {  	[sflag:s29] =	ssyncadd.s32 $0xFFFFFFFF  }
0xbc: {  	_ =	strace $0x9000004E  }
0xbd: {  	_ =	sfence  }
0xbe: {  	s30 =	sld [smem:$0x0];
	_ =	sdelay $0x2  }
0xbf: {  	s31 =	sshll.u32 s1, $0xD;
	s1 =	sshrl.u32 s1, $0x2  }
0xc0: {  	s3 =	sand.u32 $0x4000, s31;
	s1 =	sadd.s32 s1, s30  }
0xc1: {  	s0 =	sor.u32 s3, s0;
	s1 =	sshll.u32 s1, $0x11  }
0xc2: {  	s0 =	sor.u32 s1, s0  }
0xc3: {  	s0 =	sadd.s32 $0x8F2B, s0  }
0xc4: {  	[sflag:s0] =	ssyncadd.remote.s32 $0x1  }
0xc5: {  	_ =	sfence.sel $0xFFFF  }
0xc6: {  	[dreg:$0x0] =	wrdreg $0xFFFFFFFF;
	(pc) =	sbr.abs _section_cstart, $3  }
0xc7: {  	[dreg:$0x1] =	wrdreg $0xFFFFFFFF  }
0xc8: {  	_ =	task.clear_ibuf [dreg:s8], $0x2FFFF;
	_ =	strace $0x9FFFFFFF  }
0xc9: {  	(tm) =	ssettm $0x7FFFFFFF  }
tec
execute0_lowered:
.L_overlay_start_1:
0x0: {  	(tag) =	ssettag $0x1  }
0x1: {  	s1 =	rddreg [dreg:$0x0];
	s2 =	srdreg.scid  }
0x2: {  	s4 =	rddreg [dreg:$0x1];
	s0 =	stileid.u32  }
0x3: {  	s8 =	rddreg [dreg:$0x2];
	s3 =	simm.s32 $0x0;
	s6 =	sand.u32 $0x1, s2  }
0x4: {  	s5 =	sshll.u32 s0, $0xA;
	s2 =	rddreg [dreg:$0x3];
	s7 =	sshll.u32 s6, $0x9  }
0x5: {  	[smem:$0x7FF] =	sst s3;
	s9 =	sor.u32 s7, s5  }
0x6: {  	_ =	strace $0x8000004D;
	s10 =	ssub.s32 $0x2, s6;
	s5 =	sshrl.u32 s9, $0x3  }
0x7: {  	s6 =	simm.s32 $0x200;
	s5 =	sadd.s32 s4, s5;
	s4 =	simm.s32 $0x2  }
0x8: {  	[tilespmem:s3], [sflag:$0x2] =	stream.linear.gather [hbm4b:s5+s3], $0x200, $0x38;
	[tilespmem:$0x10200] =	vst v63  }
0x9: {  	s7 =	simm.s32 $0x1;
	s11 =	sshrl.u32 s10, $0x1;
	_ =	swait.ge [sflag:s4], $0x200  }
0xa: {  	s9 =	sshll.u32 s9, $0x4;
	s31 =	ssub.s32 s10, s11;
	[sflag:s4] =	ssyncset.done $0x0  }
0xb: {  	s8 =	sadd.s32 s9, s8;
	s9 =	smax.u32 s31, $0x1;
	[sflag:s4] =	ssyncadd.s32 $0xFFFFFE00  }
0xc: {  	[tilespmem:s6], [sflag:$0x1] =	stream.indirect.gather [hbm4b:s1+s6], $0x80, s3, s6, $0xb8;
	[tilespmem:$0x10200] =	vst v63  }
0xd: {  	p0 =	sne.s32 s9, $0x1;
	_ =	swait.ge [sflag:s7], $0x10000  }
.Ltmp0:
0xe: {  	[sflag:s7] =	ssyncset.done $0x0;
	(pc) =	sbr.rel @!p0 .LBB2_2-.Ltmp0, $4  }
0xf: {  	s8 =	sadd.s32 $0xCAC00, s8;
	[sflag:s7] =	ssyncadd.s32 $0xFFFF0000  }
0x10: {  	[hbm4b:s8+s3] =	stream.linear.scatter [tilespmem:s6], [sflag:$0x2], $0x10000, $0x38;
	[tilespmem:$0x10200] =	vst v63  }
0x11: {  	_ =	swait.ge [sflag:s4], $0x10000  }
0x12: {  	s9 =	sadd.s32 $0xFFFFFFFF, s9;
	[sflag:s4] =	ssyncset.done $0x0  }
.LBB2_1:
0x13: {  	p0 =	sne.s32 s9, $0x1;
	s9 =	sadd.s32 $0xFFFFFFFF, s9;
	[sflag:s4] =	ssyncadd.s32 $0xFFFF0000  }
0x14: {  	[tilespmem:s3], [sflag:$0x2] =	stream.linear.gather [hbm4b:s5+s3], $0x200, $0x38;
	[tilespmem:$0x10200] =	vst v63  }
0x15: {  	_ =	swait.ge [sflag:s4], $0x200  }
0x16: {  	[sflag:s4] =	ssyncset.done $0x0  }
0x17: {  	[sflag:s4] =	ssyncadd.s32 $0xFFFFFE00  }
0x18: {  	[tilespmem:s6], [sflag:$0x1] =	stream.indirect.gather [hbm4b:s1+s6], $0x80, s3, s6, $0xb8;
	[tilespmem:$0x10200] =	vst v63  }
0x19: {  	_ =	swait.ge [sflag:s7], $0x10000  }
.Ltmp1:
0x1a: {  	[sflag:s7] =	ssyncset.done $0x0;
	(pc) =	sbr.rel @p0 .LBB2_1-.Ltmp1, $4  }
0x1b: {  	[sflag:s7] =	ssyncadd.s32 $0xFFFF0000  }
0x1c: {  	[hbm4b:s8+s3] =	stream.linear.scatter [tilespmem:s6], [sflag:$0x2], $0x10000, $0x38;
	[tilespmem:$0x10200] =	vst v63  }
0x1d: {  	_ =	swait.ge [sflag:s4], $0x10000  }
0x1e: {  	[sflag:s4] =	ssyncset.done $0x0  }
.LBB2_2:
0x1f: {  	[sflag:s4] =	ssyncadd.s32 $0xFFFF0000  }
0x20: {  	_ =	sfence.sel $0x180000  }
0x21: {  	[bflag:$0x0] =	sbarrier.arrive $0xFFFF  }
0x22: {  	p0 =	sne.s32 s0, $0x0;
	_ =	strace $0x9000004D  }
0x23: {  	s0 =	sadd.s32 @!p0 $0x100000, s2;
	[bflag:$0x2] =	sbarrier.arrive $0xFFFF  }
0x24: {  	[sflag:s0] =	ssyncadd.tile.s32 @!p0 $0x1;
	_ =	shalt  }
.Lfunc_end2:
_tile_overlayer_lowered:
.L_overlay_start_2:
0x25: {  	(tag) =	ssettag $0x2  }
0x26: {  	s0 =	rddreg [dreg:$0x0];
	s2 =	stileid.u32  }
0x27: {  	s1 =	rddreg [dreg:$0x1];
	p0 =	sne.s32 s2, $0x0  }
0x28: {  	s3 =	rddreg [dreg:$0x2];
	[bflag:$0x3] =	sbarrier.arrive $0xFFFF;
	s2 =	simm.s32 @!p0 $0x1C02  }
0x29: {  	[timem:s3], [sflag:s2] =	dma.local @!p0 [hbm:s0], s1  }
0x2a: {  	s0 =	simm.s32 @!p0 $0x2  }
0x2b: {  	_ =	swait.ge @!p0 [sflag:s0], s1  }
0x2c: {  	s1 =	ssub.s32 @!p0 $0x0, s1;
	[sflag:s0] =	ssyncset.done @!p0 $0x0  }
0x2d: {  	[sflag:s0] =	ssyncadd.s32 @!p0 s1  }
0x2e: {  	[bflag:$0x3] =	sbarrier.arrive $0xFFFF  }
0x2f: {  	_ =	shalt  }

// kernel: kernel.9.cloned.1.call-start
scs
__scs_entry_jumppad:
0x0: {  	(pc) =	sbr.rel $0x88, $3  }
0x1: {  	(tag) =	ssettag $0x0;
	lr =	simm.s32 $0x1  }
0x2: {  	[smem:$0x3F97] =	sst lr;
	_ =	strace $0xD0000000  }
0x3: {  	_ = 	snop  }
0x4: {  	_ = 	snop  }
0x5: {  	_ = 	snop  }
0x6: {  	_ = 	snop  }
0x7: {  	_ = 	snop  }
__scs_overlays_trampoline_lowered:
0x8: {  	[smem:$0x3FA6] =	sst s0  }
0x9: {  	[smem:$0x3FA7] =	sst s1  }
0xa: {  	[smem:$0x3FA8] =	sst s2  }
0xb: {  	[smem:$0x3FA9] =	sst s3  }
0xc: {  	[smem:$0x3FAA] =	sst s4  }
0xd: {  	[smem:$0x3FAB] =	sst s5  }
0xe: {  	[smem:$0x3FAC] =	sst s6  }
0xf: {  	[smem:$0x3FAD] =	sst s7  }
0x10: {  	[smem:$0x3FAE] =	sst s8  }
0x11: {  	[smem:$0x3FAF] =	sst s9;
	s0 =	simm.s32 @!p0 $0x0  }
0x12: {  	s1 =	sld [smem:$0x3F95];
	s0 =	simm.s32 @p0 $0x1  }
0x13: {  	[smem:$0x3FB0] =	sst s0;
	s0 =	simm.s32 @!p1 $0x0  }
0x14: {  	s2 =	sld [smem:$0x3F94];
	s0 =	simm.s32 @p1 $0x1  }
0x15: {  	[smem:$0x3FB1] =	sst s0;
	s0 =	simm.s32 @!p2 $0x0  }
0x16: {  	s3 =	sld [smem:$0x3FDB];
	s0 =	simm.s32 @p2 $0x1  }
0x17: {  	s4 =	simm.s32 $0x1BF5;
	[smem:$0x3FB3] =	sst s0  }
0x18: {  	s0 =	sld [smem:$0x3F96];
	_ =	swait.ge [sflag:s4], $0x0  }
0x19: {  	s7 =	sld [smem:$0x3F97]  }
0x1a: {  	s8 =	sadd.s32 $0xFFFFE003, lr  }
0x1b: {  	s9 =	sadd.s32 $0xFFFFFEF7, lr;
	s5 =	simm.s32 $0xFFFFFFFF;
	p2 =	slt.u32 s8, $0xFFFFF086  }
0x1c: {  	p1 =	slt.u32 s9, $0xF7A;
	s5 =	simm.s32 @!p2 $0x0  }
0x1d: {  	s5 =	simm.s32 @p1 $0x1;
	p0 =	seq.s32 s7, s2  }
0x1e: {  	s7 =	smul.u32 @!p0 $0xF7A, s2;
	p2 =	seq.s32 @!p0 s5, $0x0  }
0x1f: {  	s9 =	smul.u32 $0xF7A, s1;
	s8 =	simm.s32 @!p0 $0x1BF5;
	p2 =	por !p2, p0  }
0x20: {  	[sflag:s8] =	ssyncset.s32 @!p0 $0xFFFFF086;
	s6 =	sadd.s32 @!p0 s3, s7;
	s7 =	simm.s32 @!p0 $0x108  }
0x21: {  	s3 =	sadd.s32 s3, s9;
	s6 =	sadd.s32 @!p0 $0x88, s6;
	s7 =	simm.s32 @p2 $0x1082  }
0x22: {  	[simem:s7], [sflag:s8] =	dma.local @!p0 [hbm:s6], $0xF7A  }
0x23: {  	s9 =	sor.u32 $0xD0000000, s2;
	s6 =	simm.s32 $0x108;
	_ =	swait.ge @!p0 [sflag:s8], $0x0  }
0x24: {  	s3 =	sadd.s32 $0x88, s3;
	s6 =	simm.s32 @!p1 $0x1082;
	[sflag:s4] =	ssyncset.s32 $0xFFFFF086  }
0x25: {  	[simem:s6], [sflag:s4] =	dma.local [hbm:s3], $0xF7A  }
0x26: {  	[smem:$0x3F97] =	sst s1;
	(tag) =	ssettag s2;
	_ =	strace s9  }
0x27: {  	s1 =	sld [smem:$0x3FA7]  }
0x28: {  	s2 =	sld [smem:$0x3FA8]  }
0x29: {  	s4 =	sld [smem:$0x3FAA]  }
0x2a: {  	p0 =	seq.s32 s5, $0x0;
	s5 =	sld [smem:$0x3FAB]  }
0x2b: {  	s6 =	sld [smem:$0x3FAC]  }
0x2c: {  	s7 =	sld [smem:$0x3FAD]  }
0x2d: {  	s3 =	simm.s32 $0x108;
	s8 =	sld [smem:$0x3FAE]  }
0x2e: {  	s3 =	simm.s32 @!p0 $0x1082;
	s9 =	sld [smem:$0x3FAF]  }
0x2f: {  	lr =	sadd.s32 s0, s3;
	s0 =	sld [smem:$0x3FA6]  }
0x30: {  	s3 =	sld [smem:$0x3FA9]  }
0x31: {  	[smem:$0x3FB2] =	sst s10  }
0x32: {  	s10 =	sld [smem:$0x3FB0];
	_ =	sdelay $0x3  }
0x33: {  	p0 =	seq.s32 s10, $0x1;
	s10 =	sld [smem:$0x3FB2];
	_ =	sdelay $0x3  }
0x34: {  	[smem:$0x3FB2] =	sst s10  }
0x35: {  	s10 =	sld [smem:$0x3FB1];
	_ =	sdelay $0x3  }
0x36: {  	p1 =	seq.s32 s10, $0x1;
	s10 =	sld [smem:$0x3FB2];
	_ =	sdelay $0x3  }
0x37: {  	[smem:$0x3FB2] =	sst s10  }
0x38: {  	s10 =	sld [smem:$0x3FB3]  }
0x39: {  	_ = 	snop;
	(pc) =	sbr.ind lr, $3  }
0x3a: {  	_ = 	snop  }
0x3b: {  	_ = 	snop  }
0x3c: {  	p2 =	seq.s32 s10, $0x1;
	s10 =	sld [smem:$0x3FB2]  }
0x3d: {  	_ =	shalt  }
0x3e: {  	_ =	shalt  }
0x3f: {  	_ =	shalt  }
0x40: {  	_ =	shalt  }
0x41: {  	_ =	shalt  }
0x42: {  	_ =	shalt  }
0x43: {  	_ =	shalt  }
0x44: {  	_ =	shalt  }
0x45: {  	_ =	shalt  }
0x46: {  	_ =	shalt  }
0x47: {  	_ =	shalt  }
0x48: {  	_ =	shalt  }
0x49: {  	_ =	shalt  }
0x4a: {  	_ =	shalt  }
0x4b: {  	_ =	shalt  }
0x4c: {  	_ =	shalt  }
0x4d: {  	_ =	shalt  }
0x4e: {  	_ =	shalt  }
0x4f: {  	_ =	shalt  }
0x50: {  	_ =	shalt  }
0x51: {  	_ =	shalt  }
0x52: {  	_ =	shalt  }
0x53: {  	_ =	shalt  }
0x54: {  	_ =	shalt  }
0x55: {  	_ =	shalt  }
0x56: {  	_ =	shalt  }
0x57: {  	_ =	shalt  }
0x58: {  	_ =	shalt  }
0x59: {  	_ =	shalt  }
0x5a: {  	_ =	shalt  }
0x5b: {  	_ =	shalt  }
0x5c: {  	_ =	shalt  }
0x5d: {  	_ =	shalt  }
0x5e: {  	_ =	shalt  }
0x5f: {  	_ =	shalt  }
0x60: {  	_ =	shalt  }
0x61: {  	_ =	shalt  }
0x62: {  	_ =	shalt  }
0x63: {  	_ =	shalt  }
0x64: {  	_ =	shalt  }
0x65: {  	_ =	shalt  }
0x66: {  	_ =	shalt  }
0x67: {  	_ =	shalt  }
0x68: {  	_ =	shalt  }
0x69: {  	_ =	shalt  }
0x6a: {  	_ =	shalt  }
0x6b: {  	_ =	shalt  }
0x6c: {  	_ =	shalt  }
0x6d: {  	_ =	shalt  }
0x6e: {  	_ =	shalt  }
0x6f: {  	_ =	shalt  }
0x70: {  	_ =	shalt  }
0x71: {  	_ =	shalt  }
0x72: {  	_ =	shalt  }
0x73: {  	_ =	shalt  }
0x74: {  	_ =	shalt  }
0x75: {  	_ =	shalt  }
0x76: {  	_ =	shalt  }
0x77: {  	_ =	shalt  }
0x78: {  	_ =	shalt  }
0x79: {  	_ =	shalt  }
0x7a: {  	_ =	shalt  }
0x7b: {  	_ =	shalt  }
0x7c: {  	_ =	shalt  }
0x7d: {  	_ =	shalt  }
0x7e: {  	_ =	shalt  }
0x7f: {  	_ =	shalt  }
0x80: {  	_ =	shalt  }
0x81: {  	_ =	shalt  }
0x82: {  	_ =	shalt  }
0x83: {  	_ =	shalt  }
0x84: {  	_ =	shalt  }
0x85: {  	_ =	shalt  }
0x86: {  	_ =	shalt  }
0x87: {  	_ =	shalt  }
.Lfunc_end0:
.L_simem_size_0:
called_computation_lowered:
.L_overlay_start_0:
0x88: {  	s2 =	sld [smem:$0x3FD9]  }
0x89: {  	s3 =	sld [smem:$0x3FFE];
	_ =	sdelay $0x1  }
0x8a: {  	s1 =	srdreg.scid  }
0x8b: {  	s0 =	sand.u32 $0x1, s1  }
0x8c: {  	s14 =	sshll.u32 s0, $0xA;
	s2 =	sadd.s32 s3, s2  }
0x8d: {  	s2 =	sadd.s32 s2, s14  }
0x8e: {  	[smem:$0x3FBE] =	sst s2  }
0x8f: {  	_ = 	snop  }
0x90: {  	s2 =	sld [smem:$0x3FD0];
	_ =	sdelay $0x2  }
0x91: {  	s15 =	simm.s32 $0xA;
	s4 =	simm.s32 $0x10  }
0x92: {  	[smem:s4], [sflag:s15] =	dma.local [hbm:s2], $0x1  }
0x93: {  	_ =	swait.eq [sflag:s15], $0x1  }
0x94: {  	[sflag:s15] =	ssyncset.done $0x0  }
0x95: {  	[sflag:s15] =	ssyncadd.s32 $0xFFFFFFFF  }
0x96: {  	s16 =	sld [smem:$0x11];
	(tm) =	ssettm $0x1  }
0x97: {  	s17 =	sld [smem:$0x3FFB];
	_ =	sdelay $0x3  }
0x98: {  	_ =	strace s17  }
0x99: {  	s3 =	sld [smem:$0x3FFC];
	_ =	sdelay $0x3  }
0x9a: {  	_ =	strace s3  }
0x9b: {  	s3 =	sld [smem:$0x3FFD];
	_ =	sdelay $0x3  }
0x9c: {  	_ =	strace s3  }
0x9d: {  	_ =	strace $0x8FFFFFFF  }
0x9e: {  	s18 =	sld [smem:$0x3FDB];
	_ =	sdelay $0x1  }
0x9f: {  	s19 =	simm.s32 $_scs_section_size  }
0xa0: {  	s5 =	simm.s32 $_size__tile_overlayer_lowered;
	s6 =	simm.s32 $_tile_overlayer_lowered  }
0xa1: {  	s22 =	simm.s32 $0x1BFF;
	s21 =	sshll.u32 s6, $0x1;
	s3 =	sadd.s32 s19, s18  }
0xa2: {  	s7 =	simm.s32 $0x0;
	s20 =	sshll.u32 s5, $0x1;
	s5 =	sadd.s32 s21, s3  }
0xa3: {  	[timem:s7], [sflag:s22] =	dma.local [hbm:s5], s20  }
0xa4: {  	_ =	swait.ge [sflag:s22], s20  }
0xa5: {  	s4 =	ssub.s32 $0x0, s20;
	[sflag:s22] =	ssyncset.done $0x0  }
0xa6: {  	[sflag:s22] =	ssyncadd.s32 s4;
	_ =	sdelay $0x1  }
0xa7: {  	s23 =	simm.s32 $0x1B8B  }
0xa8: {  	_ =	swait.ge [sflag:s23], $0x1  }
0xa9: {  	[sflag:s23] =	ssyncset.done $0x0  }
0xaa: {  	s25 =	simm.s32 $0x1B8E;
	s24 =	sld [smem:$0x3FFE];
	[sflag:s23] =	ssyncadd.s32 $0xFFFFFFFF  }
0xab: {  	s26 =	simm.s32 $execute0_lowered;
	[smem:$0x3FD2] =	sst s25  }
0xac: {  	s5 =	sshll.u32 s26, $0x1;
	_ =	strace $0x80000046;
	[dreg:$0x1] =	wrdreg $0xFFFFFFFF  }
0xad: {  	s28 =	simm.s32 $_size_execute0_lowered;
	s3 =	sadd.s32 s3, s5;
	[dreg:$0x0] =	wrdreg $0x0  }
0xae: {  	s5 =	sshll.u32 s28, $0x1;
	[dreg:$0x2] =	wrdreg s3  }
0xaf: {  	[dreg:$0x3] =	wrdreg s5  }
0xb0: {  	[dreg:$0x4] =	wrdreg $0xC0  }
0xb1: {  	_ =	task [dreg:s7], $0x5FFFF  }
0xb2: {  	[dreg:$0x1] =	wrdreg $0xFFFFFFFF  }
0xb3: {  	[dreg:$0x0] =	wrdreg $0x60  }
0xb4: {  	[dreg:$0x2] =	wrdreg s24  }
0xb5: {  	[dreg:$0x3] =	wrdreg s16  }
0xb6: {  	[dreg:$0x4] =	wrdreg $0x9  }
0xb7: {  	_ =	task.clear_ibuf [dreg:s7], $0x5FFFF;
	_ =	strace $0x90000046  }
0xb8: {  	s29 =	simm.s32 $0x9;
	_ =	strace $0x80000048  }
0xb9: {  	_ =	swait.ge [sflag:s29], $0x1  }
0xba: {  	[sflag:s29] =	ssyncadd.s32 $0xFFFFFFFF  }
0xbb: {  	_ =	strace $0x90000048  }
0xbc: {  	_ =	sfence  }
0xbd: {  	s30 =	sld [smem:$0x0];
	_ =	sdelay $0x2  }
0xbe: {  	s31 =	sshll.u32 s1, $0xD;
	s1 =	sshrl.u32 s1, $0x2  }
0xbf: {  	s3 =	sand.u32 $0x4000, s31;
	s1 =	sadd.s32 s1, s30  }
0xc0: {  	s0 =	sor.u32 s3, s0;
	s1 =	sshll.u32 s1, $0x11  }
0xc1: {  	s0 =	sor.u32 s1, s0  }
0xc2: {  	s0 =	sadd.s32 $0x8F2B, s0  }
0xc3: {  	[sflag:s0] =	ssyncadd.remote.s32 $0x1  }
0xc4: {  	_ =	sfence.sel $0xFFFF  }
0xc5: {  	[dreg:$0x0] =	wrdreg $0xFFFFFFFF;
	(pc) =	sbr.abs _section_cstart, $3  }
0xc6: {  	[dreg:$0x1] =	wrdreg $0xFFFFFFFF  }
0xc7: {  	_ =	task.clear_ibuf [dreg:s7], $0x2FFFF;
	_ =	strace $0x9FFFFFFF  }
0xc8: {  	(tm) =	ssettm $0x7FFFFFFF  }
0xc9: {  	_ =	shalt  }
tec
execute0_lowered:
.L_overlay_start_1:
0x0: {  	(tag) =	ssettag $0x1  }
0x1: {  	s1 =	srdreg.scid  }
0x2: {  	s8 =	rddreg [dreg:$0x0];
	s0 =	stileid.u32  }
0x3: {  	s3 =	rddreg [dreg:$0x1];
	s2 =	simm.s32 $0x0;
	s6 =	sand.u32 $0x1, s1  }
0x4: {  	s4 =	sshll.u32 s0, $0xA;
	s1 =	rddreg [dreg:$0x2];
	s5 =	sshll.u32 s6, $0x9  }
0x5: {  	s7 =	simm.s32 $0x1;
	[smem:$0x7FF] =	sst s2;
	s9 =	sor.u32 s5, s4  }
0x6: {  	_ =	strace $0x80000047;
	s10 =	ssub.s32 $0x2, s6;
	s4 =	sshrl.u32 s9, $0x3  }
0x7: {  	s6 =	simm.s32 $0x200;
	s4 =	sadd.s32 s3, s4;
	s3 =	simm.s32 $0x2  }
0x8: {  	[tilespmem:s2], [sflag:$0x2] =	stream.linear.gather [hbm4b:s4+s2], $0x200, $0x38;
	[tilespmem:$0x10200] =	vst v63  }
0x9: {  	s5 =	sadd.s32 $0x2C00, s8;
	s11 =	sshrl.u32 s10, $0x1;
	_ =	swait.ge [sflag:s3], $0x200  }
0xa: {  	s9 =	sshll.u32 s9, $0x4;
	s31 =	ssub.s32 s10, s11;
	[sflag:s3] =	ssyncset.done $0x0  }
0xb: {  	s8 =	sadd.s32 s9, s8;
	s9 =	smax.u32 s31, $0x1;
	[sflag:s3] =	ssyncadd.s32 $0xFFFFFE00  }
0xc: {  	[tilespmem:s6], [sflag:$0x1] =	stream.indirect.gather [hbm4b:s5+s6], $0x80, s2, s6, $0xb8;
	[tilespmem:$0x10200] =	vst v63  }
0xd: {  	p0 =	sne.s32 s9, $0x1;
	_ =	swait.ge [sflag:s7], $0x10000  }
.Ltmp0:
0xe: {  	[sflag:s7] =	ssyncset.done $0x0;
	(pc) =	sbr.rel @!p0 .LBB2_2-.Ltmp0, $4  }
0xf: {  	s8 =	sadd.s32 $0xAC00, s8;
	[sflag:s7] =	ssyncadd.s32 $0xFFFF0000  }
0x10: {  	[hbm4b:s8+s2] =	stream.linear.scatter [tilespmem:s6], [sflag:$0x2], $0x10000, $0x38;
	[tilespmem:$0x10200] =	vst v63  }
0x11: {  	_ =	swait.ge [sflag:s3], $0x10000  }
0x12: {  	s9 =	sadd.s32 $0xFFFFFFFF, s9;
	[sflag:s3] =	ssyncset.done $0x0  }
.LBB2_1:
0x13: {  	p0 =	sne.s32 s9, $0x1;
	s9 =	sadd.s32 $0xFFFFFFFF, s9;
	[sflag:s3] =	ssyncadd.s32 $0xFFFF0000  }
0x14: {  	[tilespmem:s2], [sflag:$0x2] =	stream.linear.gather [hbm4b:s4+s2], $0x200, $0x38;
	[tilespmem:$0x10200] =	vst v63  }
0x15: {  	_ =	swait.ge [sflag:s3], $0x200  }
0x16: {  	[sflag:s3] =	ssyncset.done $0x0  }
0x17: {  	[sflag:s3] =	ssyncadd.s32 $0xFFFFFE00  }
0x18: {  	[tilespmem:s6], [sflag:$0x1] =	stream.indirect.gather [hbm4b:s5+s6], $0x80, s2, s6, $0xb8;
	[tilespmem:$0x10200] =	vst v63  }
0x19: {  	_ =	swait.ge [sflag:s7], $0x10000  }
.Ltmp1:
0x1a: {  	[sflag:s7] =	ssyncset.done $0x0;
	(pc) =	sbr.rel @p0 .LBB2_1-.Ltmp1, $4  }
0x1b: {  	[sflag:s7] =	ssyncadd.s32 $0xFFFF0000  }
0x1c: {  	[hbm4b:s8+s2] =	stream.linear.scatter [tilespmem:s6], [sflag:$0x2], $0x10000, $0x38;
	[tilespmem:$0x10200] =	vst v63  }
0x1d: {  	_ =	swait.ge [sflag:s3], $0x10000  }
0x1e: {  	[sflag:s3] =	ssyncset.done $0x0  }
.LBB2_2:
0x1f: {  	[sflag:s3] =	ssyncadd.s32 $0xFFFF0000  }
0x20: {  	_ =	sfence.sel $0x180000  }
0x21: {  	[bflag:$0x0] =	sbarrier.arrive $0xFFFF  }
0x22: {  	p0 =	sne.s32 s0, $0x0;
	_ =	strace $0x90000047  }
0x23: {  	s0 =	sadd.s32 @!p0 $0x100000, s1;
	[bflag:$0x2] =	sbarrier.arrive $0xFFFF  }
0x24: {  	[sflag:s0] =	ssyncadd.tile.s32 @!p0 $0x1;
	_ =	shalt  }
.Lfunc_end2:
_tile_overlayer_lowered:
.L_overlay_start_2:
0x25: {  	(tag) =	ssettag $0x2  }
0x26: {  	s0 =	rddreg [dreg:$0x0];
	s2 =	stileid.u32  }
0x27: {  	s1 =	rddreg [dreg:$0x1];
	p0 =	sne.s32 s2, $0x0  }
0x28: {  	s3 =	rddreg [dreg:$0x2];
	[bflag:$0x3] =	sbarrier.arrive $0xFFFF;
	s2 =	simm.s32 @!p0 $0x1C02  }
0x29: {  	[timem:s3], [sflag:s2] =	dma.local @!p0 [hbm:s0], s1  }
0x2a: {  	s0 =	simm.s32 @!p0 $0x2  }
0x2b: {  	_ =	swait.ge @!p0 [sflag:s0], s1  }
0x2c: {  	s1 =	ssub.s32 @!p0 $0x0, s1;
	[sflag:s0] =	ssyncset.done @!p0 $0x0  }
0x2d: {  	[sflag:s0] =	ssyncadd.s32 @!p0 s1  }
0x2e: {  	[bflag:$0x3] =	sbarrier.arrive $0xFFFF  }
0x2f: {  	_ =	shalt  }

</sc_bundles>
